<compile_context>
chip_gen: v7x
topology: tpu7x:2x2x1
jax: 0.10.2.dev20260603
libtpu: 0.0.44.dev20260713+nightly
codegen_flags: <defaults>
</compile_context>

<pallas_src>
import jax
import jax.numpy as jnp
from jax import lax
from jax.experimental import pallas as pl
from jax.experimental.pallas import tpu as pltpu
from jax.experimental.pallas import tpu_sc as plsc

N_NODES = 10000
N_EDGES = 320000
D = 128

NC = 2
NS = 16
NW = NC * NS
EPW = N_EDGES // NW
CHUNK = 80
NCHUNK = EPW // CHUNK
ROWS_MAIN = 624
ROWS_TAIL = N_NODES - 15 * ROWS_MAIN


def _make_sc_agg(with_cnt: bool):
  mesh = plsc.VectorSubcoreMesh(core_axis_name="c", subcore_axis_name="s")

  out_type = [jax.ShapeDtypeStruct((N_NODES, D), jnp.float32),
              jax.ShapeDtypeStruct((N_NODES, D), jnp.float32)]
  scratch = [
      pltpu.VMEM((EPW,), jnp.int32),
      pltpu.VMEM((NCHUNK, CHUNK), jnp.int32),
      pltpu.VMEM((CHUNK, D), jnp.float32),
      pltpu.VMEM((CHUNK, D), jnp.float32),
      pltpu.VMEM_SHARED((N_NODES, D), jnp.float32),
      pltpu.SemaphoreType.DMA,
      pltpu.SemaphoreType.DMA,
      pltpu.SemaphoreType.DMA,
      pltpu.SemaphoreType.DMA,
      pltpu.SemaphoreType.DMA,
      pltpu.SemaphoreType.DMA,
  ]
  if with_cnt:
    out_type += [jax.ShapeDtypeStruct((N_NODES,), jnp.float32),
                 jax.ShapeDtypeStruct((N_NODES,), jnp.float32)]
    scratch += [
        pltpu.VMEM((CHUNK,), jnp.float32),
        pltpu.VMEM_SHARED((N_NODES,), jnp.float32),
        pltpu.SemaphoreType.DMA,
    ]

  def body(table, src, dst, zero2, zero1, ones_in, p0_out, p1_out, *rest):
    if with_cnt:
      (c0_out, c1_out, srcv, dstv, rows0, rows1, acc, sem0a, sem0b, sem1a,
       sem1b, ssem0, ssem1, ones, cacc, csem) = rest
    else:
      (srcv, dstv, rows0, rows1, acc, sem0a, sem0b, sem1a, sem1b, ssem0,
       ssem1) = rest
    c = lax.axis_index("c")
    s = lax.axis_index("s")
    wid = c * NS + s

    @pl.when(s < 15)
    def _():
      pltpu.sync_copy(zero2.at[pl.ds(s * ROWS_MAIN, ROWS_MAIN)],
                      acc.at[pl.ds(s * ROWS_MAIN, ROWS_MAIN)])
    @pl.when(s == 15)
    def _():
      pltpu.sync_copy(zero2.at[pl.ds(15 * ROWS_MAIN, ROWS_TAIL)],
                      acc.at[pl.ds(15 * ROWS_MAIN, ROWS_TAIL)])
    if with_cnt:
      @pl.when(s == 0)
      def _():
        pltpu.sync_copy(zero1, cacc)
      pltpu.sync_copy(ones_in, ones)
    pltpu.sync_copy(src.at[pl.ds(wid * EPW, EPW)], srcv)
    pltpu.sync_copy(dst.at[wid], dstv)
    plsc.subcore_barrier()

    HALF = CHUNK // 2

    def idx_half(g, h):
      return srcv.at[pl.ds(pl.multiple_of(g * CHUNK + h * HALF, HALF), HALF)]

    def gather(g, rows, sa, sb):
      pltpu.async_copy(table.at[idx_half(g, 0)], rows.at[pl.ds(0, HALF)], sa)
      pltpu.async_copy(table.at[idx_half(g, 1)],
                       rows.at[pl.ds(HALF, HALF)], sb)

    def gather_wait(g, rows, sa, sb):
      pltpu.make_async_copy(table.at[idx_half(g, 0)],
                            rows.at[pl.ds(0, HALF)], sa).wait()
      pltpu.make_async_copy(table.at[idx_half(g, 1)],
                            rows.at[pl.ds(HALF, HALF)], sb).wait()

    gather(0, rows0, sem0a, sem0b)

    def step(g, _):
      even = lax.rem(g, 2) == 0

      @pl.when(g + 1 < NCHUNK)
      def _():
        @pl.when(even)
        def _():
          @pl.when(g >= 1)
          def _():
            pltpu.make_async_copy(rows1, acc.at[dstv.at[g - 1]],
                                  ssem1).wait()
          gather(g + 1, rows1, sem1a, sem1b)
        @pl.when(jnp.logical_not(even))
        def _():
          pltpu.make_async_copy(rows0, acc.at[dstv.at[g - 1]], ssem0).wait()
          gather(g + 1, rows0, sem0a, sem0b)

      @pl.when(even)
      def _():
        gather_wait(g, rows0, sem0a, sem0b)
        pltpu.async_copy(rows0, acc.at[dstv.at[g]], ssem0, add=True)
      @pl.when(jnp.logical_not(even))
      def _():
        gather_wait(g, rows1, sem1a, sem1b)
        pltpu.async_copy(rows1, acc.at[dstv.at[g]], ssem1, add=True)
      if with_cnt:
        @pl.when(g >= 1)
        def _():
          pltpu.make_async_copy(ones, cacc.at[dstv.at[g - 1]], csem).wait()
        pltpu.async_copy(ones, cacc.at[dstv.at[g]], csem, add=True)
      return 0

    lax.fori_loop(0, NCHUNK, step, 0)
    last = NCHUNK - 1
    pltpu.make_async_copy(rows1 if last % 2 == 0 else rows0,
                          acc.at[dstv.at[last - 1]],
                          ssem1 if last % 2 == 0 else ssem0).wait()
    pltpu.make_async_copy(rows0 if last % 2 == 0 else rows1,
                          acc.at[dstv.at[last]],
                          ssem0 if last % 2 == 0 else ssem1).wait()
    if with_cnt:
      pltpu.make_async_copy(ones, cacc.at[dstv.at[last]], csem).wait()

    plsc.subcore_barrier()

    def write_out(dst_ref):
      @pl.when(s < 15)
      def _():
        pltpu.sync_copy(acc.at[pl.ds(s * ROWS_MAIN, ROWS_MAIN)],
                        dst_ref.at[pl.ds(s * ROWS_MAIN, ROWS_MAIN)])
      @pl.when(s == 15)
      def _():
        pltpu.sync_copy(acc.at[pl.ds(15 * ROWS_MAIN, ROWS_TAIL)],
                        dst_ref.at[pl.ds(15 * ROWS_MAIN, ROWS_TAIL)])

    @pl.when(c == 0)
    def _():
      write_out(p0_out)
    @pl.when(c == 1)
    def _():
      write_out(p1_out)
    if with_cnt:
      @pl.when(jnp.logical_and(c == 0, s == 0))
      def _():
        pltpu.sync_copy(cacc, c0_out)
      @pl.when(jnp.logical_and(c == 1, s == 0))
      def _():
        pltpu.sync_copy(cacc, c1_out)

  return pl.kernel(body, out_type=tuple(out_type), mesh=mesh,
                   scratch_types=tuple(scratch))


_sc_agg_cnt = _make_sc_agg(with_cnt=True)
_sc_agg = _make_sc_agg(with_cnt=False)

_RB = 5000
_GRID = N_NODES // _RB


def _make_tc_layer(apply_elu: bool):

  def body(p0_ref, p1_ref, c_ref, x_ref, wl_ref, wr_ref, b_ref, o_ref):
    cnt = jnp.maximum(c_ref[...], 1.0)
    mean = (p0_ref[...] + p1_ref[...]) / cnt
    a = (jnp.dot(mean, wl_ref[...], preferred_element_type=jnp.float32)
         + jnp.dot(x_ref[...], wr_ref[...], preferred_element_type=jnp.float32)
         + b_ref[...])
    if apply_elu:
      a = jnp.where(a > 0, a, jnp.exp(jnp.minimum(a, 0.0)) - 1.0)
    o_ref[...] = a

  row_spec = pl.BlockSpec((_RB, D), lambda i: (i, 0))
  return pl.pallas_call(
      body,
      grid=(_GRID,),
      in_specs=[
          row_spec,
          row_spec,
          pl.BlockSpec((_RB, 1), lambda i: (i, 0)),
          row_spec,
          pl.BlockSpec((D, D), lambda i: (0, 0)),
          pl.BlockSpec((D, D), lambda i: (0, 0)),
          pl.BlockSpec((1, D), lambda i: (0, 0)),
      ],
      out_specs=row_spec,
      out_shape=jax.ShapeDtypeStruct((N_NODES, D), jnp.float32),
  )


_tc_layer_elu = _make_tc_layer(apply_elu=True)
_tc_layer = _make_tc_layer(apply_elu=False)


@jax.jit
def kernel(x, edge_index, W1_l, W1_r, b1, W2_l, W2_r, b2):
  ei = edge_index.astype(jnp.int32)
  src = ei[0]
  dst = ei[1].reshape(NW, NCHUNK, CHUNK)
  zero2 = jnp.zeros((N_NODES, D), jnp.float32)
  zero1 = jnp.zeros((N_NODES,), jnp.float32)
  ones = jnp.ones((CHUNK,), jnp.float32)

  p0, p1, c0, c1 = _sc_agg_cnt(x, src, dst, zero2, zero1, ones)
  cnt = (c0 + c1).reshape(N_NODES, 1)
  h = _tc_layer_elu(p0, p1, cnt, x, W1_l, W1_r, b1.reshape(1, D))
  q0, q1 = _sc_agg(h, src, dst, zero2, zero1, ones)
  out = _tc_layer(q0, q1, cnt, h, W2_l, W2_r, b2.reshape(1, D))
  return out

# --- scband reference (transcript-rebuilt; emitter-appended) ---
"""Pipeline reference for scband-graph-sage-8624294330995 (READ-ONLY COPY).

The authoritative reference and input builder live on the scoring server;
editing this copy changes nothing except your own understanding.
"""

import jax, jax.numpy as jnp
import numpy as np

N_NODES = 10000
N_EDGES = 320000
D_IN = 128
D_HID = 128
D_OUT = 128


def setup_inputs(seed: int = 0) -> dict:
    key = jax.random.key(seed)
    ks = jax.random.split(key, 8)
    x = jax.random.normal(ks[0], (N_NODES, D_IN), dtype=jnp.float32)
    edge_index = jax.random.randint(ks[1], (2, N_EDGES), 0, N_NODES, dtype=jnp.int64)
    # SAGEConv layer 1 params (PyG-style: out = lin_l(mean_aggr(x_j)) + lin_r(x))
    s1 = 1.0 / np.sqrt(D_IN)
    W1_l = jax.random.uniform(ks[2], (D_IN, D_HID), minval=-s1, maxval=s1, dtype=jnp.float32)
    W1_r = jax.random.uniform(ks[3], (D_IN, D_HID), minval=-s1, maxval=s1, dtype=jnp.float32)
    b1 = jnp.zeros((D_HID,), dtype=jnp.float32)
    # SAGEConv layer 2 params
    s2 = 1.0 / np.sqrt(D_HID)
    W2_l = jax.random.uniform(ks[4], (D_HID, D_OUT), minval=-s2, maxval=s2, dtype=jnp.float32)
    W2_r = jax.random.uniform(ks[5], (D_HID, D_OUT), minval=-s2, maxval=s2, dtype=jnp.float32)
    b2 = jnp.zeros((D_OUT,), dtype=jnp.float32)
    return {"x": x, "edge_index": edge_index, "W1_l": W1_l, "W1_r": W1_r, "b1": b1,
            "W2_l": W2_l, "W2_r": W2_r, "b2": b2}


def _sage_conv(x, edge_index, W_l, W_r, b):
    src = edge_index[0]
    dst = edge_index[1]
    msgs = jnp.take(x, src, axis=0)                       # gather neighbor features
    agg = jax.ops.segment_sum(msgs, dst, num_segments=N_NODES)   # scatter-add
    cnt = jax.ops.segment_sum(jnp.ones((msgs.shape[0],), dtype=x.dtype), dst,
                              num_segments=N_NODES)
    mean = agg / jnp.clip(cnt, 1.0, None)[:, None]        # mean aggregation
    return mean @ W_l + x @ W_r + b


def reference(x, edge_index, W1_l, W1_r, b1, W2_l, W2_r, b2):
    h = _sage_conv(x, edge_index, W1_l, W1_r, b1)
    h = jax.nn.elu(h)
    out = _sage_conv(h, edge_index, W2_l, W2_r, b2)
    return out

if __name__ == "__main__":
    import jax
    _d = setup_inputs()
    print(jax.jit(kernel)(*tuple(_d.values())))

</pallas_src>

<mosaic_0001>
#map = affine_map<(d0, d1) -> (0, 0)>
#map1 = affine_map<(d0, d1) -> (0)>
#map2 = affine_map<(d0, d1) -> (0, 0, 0)>
module attributes {stable_mosaic.version = 14 : i64} {
  func.func @body(%arg0: i32, %arg1: i32, %arg2: memref<10000x128xf32, #tpu.memory_space<hbm>>, %arg3: memref<320000xi32, #tpu.memory_space<hbm>>, %arg4: memref<32x125x80xi32, #tpu.memory_space<hbm>>, %arg5: memref<10000x128xf32, #tpu.memory_space<hbm>>, %arg6: memref<10000xf32, #tpu.memory_space<hbm>>, %arg7: memref<80xf32, #tpu.memory_space<hbm>>, %arg8: memref<10000x128xf32, #tpu.memory_space<hbm>>, %arg9: memref<10000x128xf32, #tpu.memory_space<hbm>>, %arg10: memref<10000xf32, #tpu.memory_space<hbm>>, %arg11: memref<10000xf32, #tpu.memory_space<hbm>>, %arg12: memref<10000xi32, #tpu.memory_space<vmem>>, %arg13: memref<125x80xi32, #tpu.memory_space<vmem>>, %arg14: memref<80x128xf32, #tpu.memory_space<vmem>>, %arg15: memref<80x128xf32, #tpu.memory_space<vmem>>, %arg16: memref<10000x128xf32, #tpu.memory_space<vmem_shared>>, %arg17: memref<!tpu.dma_semaphore, #tpu.memory_space<semaphore_mem>>, %arg18: memref<!tpu.dma_semaphore, #tpu.memory_space<semaphore_mem>>, %arg19: memref<!tpu.dma_semaphore, #tpu.memory_space<semaphore_mem>>, %arg20: memref<!tpu.dma_semaphore, #tpu.memory_space<semaphore_mem>>, %arg21: memref<!tpu.dma_semaphore, #tpu.memory_space<semaphore_mem>>, %arg22: memref<!tpu.dma_semaphore, #tpu.memory_space<semaphore_mem>>, %arg23: memref<80xf32, #tpu.memory_space<vmem>>, %arg24: memref<10000xf32, #tpu.memory_space<vmem_shared>>, %arg25: memref<!tpu.dma_semaphore, #tpu.memory_space<semaphore_mem>>) attributes {dimension_semantics = [#tpu.dimension_semantics<core_parallel>, #tpu.dimension_semantics<subcore_parallel>], iteration_bounds = array<i64: 2, 16>, scalar_prefetch = 0 : i64, scratch_operands = 14 : i64, tpu.core_type = #tpu.core_type<sc_vector_subcore>, window_params = [{transform_indices = #map}, {transform_indices = #map1}, {transform_indices = #map2}, {transform_indices = #map}, {transform_indices = #map1}, {transform_indices = #map1}, {transform_indices = #map}, {transform_indices = #map}, {transform_indices = #map1}, {transform_indices = #map1}]} {
    %mul3A = arith.constant 16 : i32
    %mul3A_0 = arith.muli %arg0, %mul3A : i32
    %add3A = arith.addi %mul3A_0, %arg1 : i32
    %lt3A = arith.constant 15 : i32
    %lt3A_1 = arith.cmpi slt, %arg1, %lt3A : i32
    %convert_element_type3A = arith.extui %lt3A_1 : i1 to i32
    %cond3A = arith.constant 0 : i32
    %cond3A_2 = arith.cmpi ne, %convert_element_type3A, %cond3A : i32
    scf.if %cond3A_2 {
      %mul3A_81 = arith.constant 624 : i32
      %mul3A_82 = arith.muli %arg1, %mul3A_81 : i32
      %mul3A_83 = arith.constant 624 : i32
      %mul3A_84 = arith.muli %arg1, %mul3A_83 : i32
      "tpu.region"() ({
        %run_scoped3A = tpu.sem_alloc : memref<!tpu.dma_semaphore, #tpu.memory_space<semaphore_mem>>
        %dma_start3A_85 = arith.constant 0 : i32
        %dma_start3A_86 = tpu.memref_slice %arg16[%mul3A_84, %dma_start3A_85] : memref<10000x128xf32, #tpu.memory_space<vmem_shared>> -> memref<624x128xf32, #tpu.memory_space<vmem_shared>>
        %dma_start3A_87 = arith.constant 0 : i32
        %dma_start3A_88 = tpu.memref_slice %arg5[%mul3A_82, %dma_start3A_87] : memref<10000x128xf32, #tpu.memory_space<hbm>> -> memref<624x128xf32, #tpu.memory_space<hbm>>
        tpu.enqueue_dma source(%dma_start3A_88 : memref<624x128xf32, #tpu.memory_space<hbm>>) target(%dma_start3A_86 : memref<624x128xf32, #tpu.memory_space<vmem_shared>>) target_semaphore(%run_scoped3A : memref<!tpu.dma_semaphore, #tpu.memory_space<semaphore_mem>>)
        %dma_wait3A_89 = arith.constant 0 : i32
        %dma_wait3A_90 = tpu.memref_slice %arg16[%mul3A_84, %dma_wait3A_89] : memref<10000x128xf32, #tpu.memory_space<vmem_shared>> -> memref<624x128xf32, #tpu.memory_space<vmem_shared>>
        %dma_wait3A_91 = arith.constant 0 : i32
        %dma_wait3A_92 = tpu.memref_slice %arg5[%mul3A_82, %dma_wait3A_91] : memref<10000x128xf32, #tpu.memory_space<hbm>> -> memref<624x128xf32, #tpu.memory_space<hbm>>
        tpu.wait_dma2 semaphore(%run_scoped3A : memref<!tpu.dma_semaphore, #tpu.memory_space<semaphore_mem>>) src(%dma_wait3A_92 : memref<624x128xf32, #tpu.memory_space<hbm>>) dst(%dma_wait3A_90 : memref<624x128xf32, #tpu.memory_space<vmem_shared>>)
        tpu.yield
      }) : () -> ()
    } else {
    }
    %eq3A = arith.constant 15 : i32
    %eq3A_3 = arith.cmpi eq, %arg1, %eq3A : i32
    %convert_element_type3A_4 = arith.extui %eq3A_3 : i1 to i32
    %cond3A_5 = arith.constant 0 : i32
    %cond3A_6 = arith.cmpi ne, %convert_element_type3A_4, %cond3A_5 : i32
    scf.if %cond3A_6 {
      "tpu.region"() ({
        %run_scoped3A = tpu.sem_alloc : memref<!tpu.dma_semaphore, #tpu.memory_space<semaphore_mem>>
        %dma_start3A_81 = arith.constant 9360 : i32
        %dma_start3A_82 = arith.constant 0 : i32
        %dma_start3A_83 = tpu.memref_slice %arg16[%dma_start3A_81, %dma_start3A_82] : memref<10000x128xf32, #tpu.memory_space<vmem_shared>> -> memref<640x128xf32, #tpu.memory_space<vmem_shared>>
        %dma_start3A_84 = arith.constant 9360 : i32
        %dma_start3A_85 = arith.constant 0 : i32
        %dma_start3A_86 = tpu.memref_slice %arg5[%dma_start3A_84, %dma_start3A_85] : memref<10000x128xf32, #tpu.memory_space<hbm>> -> memref<640x128xf32, #tpu.memory_space<hbm>>
        tpu.enqueue_dma source(%dma_start3A_86 : memref<640x128xf32, #tpu.memory_space<hbm>>) target(%dma_start3A_83 : memref<640x128xf32, #tpu.memory_space<vmem_shared>>) target_semaphore(%run_scoped3A : memref<!tpu.dma_semaphore, #tpu.memory_space<semaphore_mem>>)
        %dma_wait3A_87 = arith.constant 9360 : i32
        %dma_wait3A_88 = arith.constant 0 : i32
        %dma_wait3A_89 = tpu.memref_slice %arg16[%dma_wait3A_87, %dma_wait3A_88] : memref<10000x128xf32, #tpu.memory_space<vmem_shared>> -> memref<640x128xf32, #tpu.memory_space<vmem_shared>>
        %dma_wait3A_90 = arith.constant 9360 : i32
        %dma_wait3A_91 = arith.constant 0 : i32
        %dma_wait3A_92 = tpu.memref_slice %arg5[%dma_wait3A_90, %dma_wait3A_91] : memref<10000x128xf32, #tpu.memory_space<hbm>> -> memref<640x128xf32, #tpu.memory_space<hbm>>
        tpu.wait_dma2 semaphore(%run_scoped3A : memref<!tpu.dma_semaphore, #tpu.memory_space<semaphore_mem>>) src(%dma_wait3A_92 : memref<640x128xf32, #tpu.memory_space<hbm>>) dst(%dma_wait3A_89 : memref<640x128xf32, #tpu.memory_space<vmem_shared>>)
        tpu.yield
      }) : () -> ()
    } else {
    }
    %eq3A_7 = arith.constant 0 : i32
    %eq3A_8 = arith.cmpi eq, %arg1, %eq3A_7 : i32
    %convert_element_type3A_9 = arith.extui %eq3A_8 : i1 to i32
    %cond3A_10 = arith.constant 0 : i32
    %cond3A_11 = arith.cmpi ne, %convert_element_type3A_9, %cond3A_10 : i32
    scf.if %cond3A_11 {
      "tpu.region"() ({
        %run_scoped3A = tpu.sem_alloc : memref<!tpu.dma_semaphore, #tpu.memory_space<semaphore_mem>>
        tpu.enqueue_dma source(%arg6 : memref<10000xf32, #tpu.memory_space<hbm>>) target(%arg24 : memref<10000xf32, #tpu.memory_space<vmem_shared>>) target_semaphore(%run_scoped3A : memref<!tpu.dma_semaphore, #tpu.memory_space<semaphore_mem>>)
        tpu.wait_dma2 semaphore(%run_scoped3A : memref<!tpu.dma_semaphore, #tpu.memory_space<semaphore_mem>>) src(%arg6 : memref<10000xf32, #tpu.memory_space<hbm>>) dst(%arg24 : memref<10000xf32, #tpu.memory_space<vmem_shared>>)
        tpu.yield
      }) : () -> ()
    } else {
    }
    "tpu.region"() ({
      %run_scoped3A = tpu.sem_alloc : memref<!tpu.dma_semaphore, #tpu.memory_space<semaphore_mem>>
      tpu.enqueue_dma source(%arg7 : memref<80xf32, #tpu.memory_space<hbm>>) target(%arg23 : memref<80xf32, #tpu.memory_space<vmem>>) target_semaphore(%run_scoped3A : memref<!tpu.dma_semaphore, #tpu.memory_space<semaphore_mem>>)
      tpu.wait_dma2 semaphore(%run_scoped3A : memref<!tpu.dma_semaphore, #tpu.memory_space<semaphore_mem>>) src(%arg7 : memref<80xf32, #tpu.memory_space<hbm>>) dst(%arg23 : memref<80xf32, #tpu.memory_space<vmem>>)
      tpu.yield
    }) : () -> ()
    %mul3A_12 = arith.constant 10000 : i32
    %mul3A_13 = arith.muli %add3A, %mul3A_12 : i32
    "tpu.region"() ({
      %run_scoped3A = tpu.sem_alloc : memref<!tpu.dma_semaphore, #tpu.memory_space<semaphore_mem>>
      %dma_start3A_81 = tpu.memref_slice %arg3[%mul3A_13] : memref<320000xi32, #tpu.memory_space<hbm>> -> memref<10000xi32, #tpu.memory_space<hbm>>
      %dma_start3A_82 = tpu.memref_slice %arg3[%mul3A_13] : memref<320000xi32, #tpu.memory_space<hbm>> -> memref<10000xi32, #tpu.memory_space<hbm>>
      tpu.enqueue_dma source(%dma_start3A_82 : memref<10000xi32, #tpu.memory_space<hbm>>) target(%arg12 : memref<10000xi32, #tpu.memory_space<vmem>>) target_semaphore(%run_scoped3A : memref<!tpu.dma_semaphore, #tpu.memory_space<semaphore_mem>>)
      %dma_wait3A_83 = tpu.memref_slice %arg3[%mul3A_13] : memref<320000xi32, #tpu.memory_space<hbm>> -> memref<10000xi32, #tpu.memory_space<hbm>>
      %dma_wait3A_84 = tpu.memref_slice %arg3[%mul3A_13] : memref<320000xi32, #tpu.memory_space<hbm>> -> memref<10000xi32, #tpu.memory_space<hbm>>
      tpu.wait_dma2 semaphore(%run_scoped3A : memref<!tpu.dma_semaphore, #tpu.memory_space<semaphore_mem>>) src(%dma_wait3A_84 : memref<10000xi32, #tpu.memory_space<hbm>>) dst(%arg12 : memref<10000xi32, #tpu.memory_space<vmem>>)
      tpu.yield
    }) : () -> ()
    "tpu.region"() ({
      %run_scoped3A = tpu.sem_alloc : memref<!tpu.dma_semaphore, #tpu.memory_space<semaphore_mem>>
      %dma_start3A_81 = arith.constant 0 : i32
      %dma_start3A_82 = arith.constant 0 : i32
      %dma_start3A_83 = tpu.memref_slice %arg4[%add3A, %dma_start3A_81, %dma_start3A_82] : memref<32x125x80xi32, #tpu.memory_space<hbm>> -> memref<1x125x80xi32, #tpu.memory_space<hbm>>
      %dma_start3A_84 = tpu.memref_squeeze %dma_start3A_83 : memref<1x125x80xi32, #tpu.memory_space<hbm>> -> memref<125x80xi32, #tpu.memory_space<hbm>>
      %dma_start3A_85 = arith.constant 0 : i32
      %dma_start3A_86 = arith.constant 0 : i32
      %dma_start3A_87 = tpu.memref_slice %arg4[%add3A, %dma_start3A_85, %dma_start3A_86] : memref<32x125x80xi32, #tpu.memory_space<hbm>> -> memref<1x125x80xi32, #tpu.memory_space<hbm>>
      %dma_start3A_88 = tpu.memref_squeeze %dma_start3A_87 : memref<1x125x80xi32, #tpu.memory_space<hbm>> -> memref<125x80xi32, #tpu.memory_space<hbm>>
      tpu.enqueue_dma source(%dma_start3A_88 : memref<125x80xi32, #tpu.memory_space<hbm>>) target(%arg13 : memref<125x80xi32, #tpu.memory_space<vmem>>) target_semaphore(%run_scoped3A : memref<!tpu.dma_semaphore, #tpu.memory_space<semaphore_mem>>)
      %dma_wait3A_89 = arith.constant 0 : i32
      %dma_wait3A_90 = arith.constant 0 : i32
      %dma_wait3A_91 = tpu.memref_slice %arg4[%add3A, %dma_wait3A_89, %dma_wait3A_90] : memref<32x125x80xi32, #tpu.memory_space<hbm>> -> memref<1x125x80xi32, #tpu.memory_space<hbm>>
      %dma_wait3A_92 = tpu.memref_squeeze %dma_wait3A_91 : memref<1x125x80xi32, #tpu.memory_space<hbm>> -> memref<125x80xi32, #tpu.memory_space<hbm>>
      %dma_wait3A_93 = arith.constant 0 : i32
      %dma_wait3A_94 = arith.constant 0 : i32
      %dma_wait3A_95 = tpu.memref_slice %arg4[%add3A, %dma_wait3A_93, %dma_wait3A_94] : memref<32x125x80xi32, #tpu.memory_space<hbm>> -> memref<1x125x80xi32, #tpu.memory_space<hbm>>
      %dma_wait3A_96 = tpu.memref_squeeze %dma_wait3A_95 : memref<1x125x80xi32, #tpu.memory_space<hbm>> -> memref<125x80xi32, #tpu.memory_space<hbm>>
      tpu.wait_dma2 semaphore(%run_scoped3A : memref<!tpu.dma_semaphore, #tpu.memory_space<semaphore_mem>>) src(%dma_wait3A_96 : memref<125x80xi32, #tpu.memory_space<hbm>>) dst(%arg13 : memref<125x80xi32, #tpu.memory_space<vmem>>)
      tpu.yield
    }) : () -> ()
    %barrier3A = arith.constant 0 : index
    tpu.barrier barrier_id(%barrier3A)
    %multiple_of3A = arith.constant 0 : i32
    %multiple_of3A_14 = tpu.assume_multiple %multiple_of3A, 40 : i32
    %dma_start3A = arith.constant 0 : i32
    %dma_start3A_15 = arith.constant 0 : i32
    %dma_start3A_16 = tpu.memref_slice %arg14[%dma_start3A, %dma_start3A_15] : memref<80x128xf32, #tpu.memory_space<vmem>> -> memref<40x128xf32, #tpu.memory_space<vmem>>
    %dma_start3A_17 = tpu.memref_slice %arg12[%multiple_of3A_14] : memref<10000xi32, #tpu.memory_space<vmem>> -> memref<40xi32, #tpu.memory_space<vmem>>
    %dma_start3A_18 = arith.constant 0 : i32
    %dma_start3A_19 = arith.constant 0 : i32
    %dma_start3A_20 = tpu.memref_slice %arg2[%dma_start3A_18, %dma_start3A_19] : memref<10000x128xf32, #tpu.memory_space<hbm>> -> memref<10000x128xf32, #tpu.memory_space<hbm>>
    tpu.enqueue_indirect_dma source(%dma_start3A_20 : memref<10000x128xf32, #tpu.memory_space<hbm>>) target(%dma_start3A_16 : memref<40x128xf32, #tpu.memory_space<vmem>>) offsets(%dma_start3A_17 : memref<40xi32, #tpu.memory_space<vmem>>) semaphore(%arg17 : memref<!tpu.dma_semaphore, #tpu.memory_space<semaphore_mem>>)
    %multiple_of3A_21 = arith.constant 40 : i32
    %multiple_of3A_22 = tpu.assume_multiple %multiple_of3A_21, 40 : i32
    %dma_start3A_23 = arith.constant 40 : i32
    %dma_start3A_24 = arith.constant 0 : i32
    %dma_start3A_25 = tpu.memref_slice %arg14[%dma_start3A_23, %dma_start3A_24] : memref<80x128xf32, #tpu.memory_space<vmem>> -> memref<40x128xf32, #tpu.memory_space<vmem>>
    %dma_start3A_26 = tpu.memref_slice %arg12[%multiple_of3A_22] : memref<10000xi32, #tpu.memory_space<vmem>> -> memref<40xi32, #tpu.memory_space<vmem>>
    %dma_start3A_27 = arith.constant 0 : i32
    %dma_start3A_28 = arith.constant 0 : i32
    %dma_start3A_29 = tpu.memref_slice %arg2[%dma_start3A_27, %dma_start3A_28] : memref<10000x128xf32, #tpu.memory_space<hbm>> -> memref<10000x128xf32, #tpu.memory_space<hbm>>
    tpu.enqueue_indirect_dma source(%dma_start3A_29 : memref<10000x128xf32, #tpu.memory_space<hbm>>) target(%dma_start3A_25 : memref<40x128xf32, #tpu.memory_space<vmem>>) offsets(%dma_start3A_26 : memref<40xi32, #tpu.memory_space<vmem>>) semaphore(%arg18 : memref<!tpu.dma_semaphore, #tpu.memory_space<semaphore_mem>>)
    %scan3A = arith.constant 0 : i32
    %scan3A_30 = arith.constant 0 : i32
    %scan3A_31 = arith.constant 125 : i32
    %scan3A_32 = arith.addi %scan3A_30, %scan3A_31 : i32
    %scan3A_33 = arith.constant 1 : i32
    %scan3A_34 = scf.for %scan3A_81 = %scan3A_30 to %scan3A_32 step %scan3A_33 iter_args(%scan3A_82 = %scan3A) -> (i32)  : i32 {
      %rem3A = arith.constant 2 : i32
      %rem3A_83 = arith.remsi %scan3A_81, %rem3A : i32
      %eq3A_84 = arith.constant 0 : i32
      %eq3A_85 = arith.cmpi eq, %rem3A_83, %eq3A_84 : i32
      %add3A_86 = arith.constant 1 : i32
      %add3A_87 = arith.addi %scan3A_81, %add3A_86 : i32
      %lt3A_88 = arith.constant 125 : i32
      %lt3A_89 = arith.cmpi slt, %add3A_87, %lt3A_88 : i32
      %convert_element_type3A_90 = arith.extui %lt3A_89 : i1 to i32
      %cond3A_91 = arith.constant 0 : i32
      %cond3A_92 = arith.cmpi ne, %convert_element_type3A_90, %cond3A_91 : i32
      scf.if %cond3A_92 {
        %convert_element_type3A_110 = arith.extui %eq3A_85 : i1 to i32
        %cond3A_111 = arith.constant 0 : i32
        %cond3A_112 = arith.cmpi ne, %convert_element_type3A_110, %cond3A_111 : i32
        scf.if %cond3A_112 {
          %ge3A_118 = arith.constant 1 : i32
          %ge3A_119 = arith.cmpi sge, %scan3A_81, %ge3A_118 : i32
          %convert_element_type3A_120 = arith.extui %ge3A_119 : i1 to i32
          %cond3A_121 = arith.constant 0 : i32
          %cond3A_122 = arith.cmpi ne, %convert_element_type3A_120, %cond3A_121 : i32
          scf.if %cond3A_122 {
            %sub3A = arith.constant 1 : i32
            %sub3A_149 = arith.subi %scan3A_81, %sub3A : i32
            %dma_wait3A_150 = arith.constant 0 : i32
            %dma_wait3A_151 = tpu.memref_slice %arg13[%sub3A_149, %dma_wait3A_150] : memref<125x80xi32, #tpu.memory_space<vmem>> -> memref<1x80xi32, #tpu.memory_space<vmem>>
            %dma_wait3A_152 = tpu.memref_squeeze %dma_wait3A_151 : memref<1x80xi32, #tpu.memory_space<vmem>> -> memref<80xi32, #tpu.memory_space<vmem>>
            %dma_wait3A_153 = arith.constant 0 : i32
            %dma_wait3A_154 = arith.constant 0 : i32
            %dma_wait3A_155 = tpu.memref_slice %arg16[%dma_wait3A_153, %dma_wait3A_154] : memref<10000x128xf32, #tpu.memory_space<vmem_shared>> -> memref<10000x128xf32, #tpu.memory_space<vmem_shared>>
            tpu.wait_indirect_dma semaphore(%arg22 : memref<!tpu.dma_semaphore, #tpu.memory_space<semaphore_mem>>) src(%arg15 : memref<80x128xf32, #tpu.memory_space<vmem>>) dst(%dma_wait3A_155 : memref<10000x128xf32, #tpu.memory_space<vmem_shared>>)
          } else {
          }
          %add3A_123 = arith.constant 1 : i32
          %add3A_124 = arith.addi %scan3A_81, %add3A_123 : i32
          %mul3A_125 = arith.constant 80 : i32
          %mul3A_126 = arith.muli %add3A_124, %mul3A_125 : i32
          %add3A_127 = arith.constant 0 : i32
          %add3A_128 = arith.addi %mul3A_126, %add3A_127 : i32
          %multiple_of3A_129 = tpu.assume_multiple %add3A_128, 40 : i32
          %dma_start3A_130 = arith.constant 0 : i32
          %dma_start3A_131 = arith.constant 0 : i32
          %dma_start3A_132 = tpu.memref_slice %arg15[%dma_start3A_130, %dma_start3A_131] : memref<80x128xf32, #tpu.memory_space<vmem>> -> memref<40x128xf32, #tpu.memory_space<vmem>>
          %dma_start3A_133 = tpu.memref_slice %arg12[%multiple_of3A_129] : memref<10000xi32, #tpu.memory_space<vmem>> -> memref<40xi32, #tpu.memory_space<vmem>>
          %dma_start3A_134 = arith.constant 0 : i32
          %dma_start3A_135 = arith.constant 0 : i32
          %dma_start3A_136 = tpu.memref_slice %arg2[%dma_start3A_134, %dma_start3A_135] : memref<10000x128xf32, #tpu.memory_space<hbm>> -> memref<10000x128xf32, #tpu.memory_space<hbm>>
          tpu.enqueue_indirect_dma source(%dma_start3A_136 : memref<10000x128xf32, #tpu.memory_space<hbm>>) target(%dma_start3A_132 : memref<40x128xf32, #tpu.memory_space<vmem>>) offsets(%dma_start3A_133 : memref<40xi32, #tpu.memory_space<vmem>>) semaphore(%arg19 : memref<!tpu.dma_semaphore, #tpu.memory_space<semaphore_mem>>)
          %mul3A_137 = arith.constant 80 : i32
          %mul3A_138 = arith.muli %add3A_124, %mul3A_137 : i32
          %add3A_139 = arith.constant 40 : i32
          %add3A_140 = arith.addi %mul3A_138, %add3A_139 : i32
          %multiple_of3A_141 = tpu.assume_multiple %add3A_140, 40 : i32
          %dma_start3A_142 = arith.constant 40 : i32
          %dma_start3A_143 = arith.constant 0 : i32
          %dma_start3A_144 = tpu.memref_slice %arg15[%dma_start3A_142, %dma_start3A_143] : memref<80x128xf32, #tpu.memory_space<vmem>> -> memref<40x128xf32, #tpu.memory_space<vmem>>
          %dma_start3A_145 = tpu.memref_slice %arg12[%multiple_of3A_141] : memref<10000xi32, #tpu.memory_space<vmem>> -> memref<40xi32, #tpu.memory_space<vmem>>
          %dma_start3A_146 = arith.constant 0 : i32
          %dma_start3A_147 = arith.constant 0 : i32
          %dma_start3A_148 = tpu.memref_slice %arg2[%dma_start3A_146, %dma_start3A_147] : memref<10000x128xf32, #tpu.memory_space<hbm>> -> memref<10000x128xf32, #tpu.memory_space<hbm>>
          tpu.enqueue_indirect_dma source(%dma_start3A_148 : memref<10000x128xf32, #tpu.memory_space<hbm>>) target(%dma_start3A_144 : memref<40x128xf32, #tpu.memory_space<vmem>>) offsets(%dma_start3A_145 : memref<40xi32, #tpu.memory_space<vmem>>) semaphore(%arg20 : memref<!tpu.dma_semaphore, #tpu.memory_space<semaphore_mem>>)
        } else {
        }
        %not3A_113 = arith.constant true
        %not3A_114 = arith.xori %eq3A_85, %not3A_113 : i1
        %convert_element_type3A_115 = arith.extui %not3A_114 : i1 to i32
        %cond3A_116 = arith.constant 0 : i32
        %cond3A_117 = arith.cmpi ne, %convert_element_type3A_115, %cond3A_116 : i32
        scf.if %cond3A_117 {
          %sub3A = arith.constant 1 : i32
          %sub3A_118 = arith.subi %scan3A_81, %sub3A : i32
          %dma_wait3A_119 = arith.constant 0 : i32
          %dma_wait3A_120 = tpu.memref_slice %arg13[%sub3A_118, %dma_wait3A_119] : memref<125x80xi32, #tpu.memory_space<vmem>> -> memref<1x80xi32, #tpu.memory_space<vmem>>
          %dma_wait3A_121 = tpu.memref_squeeze %dma_wait3A_120 : memref<1x80xi32, #tpu.memory_space<vmem>> -> memref<80xi32, #tpu.memory_space<vmem>>
          %dma_wait3A_122 = arith.constant 0 : i32
          %dma_wait3A_123 = arith.constant 0 : i32
          %dma_wait3A_124 = tpu.memref_slice %arg16[%dma_wait3A_122, %dma_wait3A_123] : memref<10000x128xf32, #tpu.memory_space<vmem_shared>> -> memref<10000x128xf32, #tpu.memory_space<vmem_shared>>
          tpu.wait_indirect_dma semaphore(%arg21 : memref<!tpu.dma_semaphore, #tpu.memory_space<semaphore_mem>>) src(%arg14 : memref<80x128xf32, #tpu.memory_space<vmem>>) dst(%dma_wait3A_124 : memref<10000x128xf32, #tpu.memory_space<vmem_shared>>)
          %add3A_125 = arith.constant 1 : i32
          %add3A_126 = arith.addi %scan3A_81, %add3A_125 : i32
          %mul3A_127 = arith.constant 80 : i32
          %mul3A_128 = arith.muli %add3A_126, %mul3A_127 : i32
          %add3A_129 = arith.constant 0 : i32
          %add3A_130 = arith.addi %mul3A_128, %add3A_129 : i32
          %multiple_of3A_131 = tpu.assume_multiple %add3A_130, 40 : i32
          %dma_start3A_132 = arith.constant 0 : i32
          %dma_start3A_133 = arith.constant 0 : i32
          %dma_start3A_134 = tpu.memref_slice %arg14[%dma_start3A_132, %dma_start3A_133] : memref<80x128xf32, #tpu.memory_space<vmem>> -> memref<40x128xf32, #tpu.memory_space<vmem>>
          %dma_start3A_135 = tpu.memref_slice %arg12[%multiple_of3A_131] : memref<10000xi32, #tpu.memory_space<vmem>> -> memref<40xi32, #tpu.memory_space<vmem>>
          %dma_start3A_136 = arith.constant 0 : i32
          %dma_start3A_137 = arith.constant 0 : i32
          %dma_start3A_138 = tpu.memref_slice %arg2[%dma_start3A_136, %dma_start3A_137] : memref<10000x128xf32, #tpu.memory_space<hbm>> -> memref<10000x128xf32, #tpu.memory_space<hbm>>
          tpu.enqueue_indirect_dma source(%dma_start3A_138 : memref<10000x128xf32, #tpu.memory_space<hbm>>) target(%dma_start3A_134 : memref<40x128xf32, #tpu.memory_space<vmem>>) offsets(%dma_start3A_135 : memref<40xi32, #tpu.memory_space<vmem>>) semaphore(%arg17 : memref<!tpu.dma_semaphore, #tpu.memory_space<semaphore_mem>>)
          %mul3A_139 = arith.constant 80 : i32
          %mul3A_140 = arith.muli %add3A_126, %mul3A_139 : i32
          %add3A_141 = arith.constant 40 : i32
          %add3A_142 = arith.addi %mul3A_140, %add3A_141 : i32
          %multiple_of3A_143 = tpu.assume_multiple %add3A_142, 40 : i32
          %dma_start3A_144 = arith.constant 40 : i32
          %dma_start3A_145 = arith.constant 0 : i32
          %dma_start3A_146 = tpu.memref_slice %arg14[%dma_start3A_144, %dma_start3A_145] : memref<80x128xf32, #tpu.memory_space<vmem>> -> memref<40x128xf32, #tpu.memory_space<vmem>>
          %dma_start3A_147 = tpu.memref_slice %arg12[%multiple_of3A_143] : memref<10000xi32, #tpu.memory_space<vmem>> -> memref<40xi32, #tpu.memory_space<vmem>>
          %dma_start3A_148 = arith.constant 0 : i32
          %dma_start3A_149 = arith.constant 0 : i32
          %dma_start3A_150 = tpu.memref_slice %arg2[%dma_start3A_148, %dma_start3A_149] : memref<10000x128xf32, #tpu.memory_space<hbm>> -> memref<10000x128xf32, #tpu.memory_space<hbm>>
          tpu.enqueue_indirect_dma source(%dma_start3A_150 : memref<10000x128xf32, #tpu.memory_space<hbm>>) target(%dma_start3A_146 : memref<40x128xf32, #tpu.memory_space<vmem>>) offsets(%dma_start3A_147 : memref<40xi32, #tpu.memory_space<vmem>>) semaphore(%arg18 : memref<!tpu.dma_semaphore, #tpu.memory_space<semaphore_mem>>)
        } else {
        }
      } else {
      }
      %convert_element_type3A_93 = arith.extui %eq3A_85 : i1 to i32
      %cond3A_94 = arith.constant 0 : i32
      %cond3A_95 = arith.cmpi ne, %convert_element_type3A_93, %cond3A_94 : i32
      scf.if %cond3A_95 {
        %mul3A_110 = arith.constant 80 : i32
        %mul3A_111 = arith.muli %scan3A_81, %mul3A_110 : i32
        %add3A_112 = arith.constant 0 : i32
        %add3A_113 = arith.addi %mul3A_111, %add3A_112 : i32
        %multiple_of3A_114 = tpu.assume_multiple %add3A_113, 40 : i32
        %dma_wait3A_115 = arith.constant 0 : i32
        %dma_wait3A_116 = arith.constant 0 : i32
        %dma_wait3A_117 = tpu.memref_slice %arg14[%dma_wait3A_115, %dma_wait3A_116] : memref<80x128xf32, #tpu.memory_space<vmem>> -> memref<40x128xf32, #tpu.memory_space<vmem>>
        %dma_wait3A_118 = tpu.memref_slice %arg12[%multiple_of3A_114] : memref<10000xi32, #tpu.memory_space<vmem>> -> memref<40xi32, #tpu.memory_space<vmem>>
        %dma_wait3A_119 = arith.constant 0 : i32
        %dma_wait3A_120 = arith.constant 0 : i32
        %dma_wait3A_121 = tpu.memref_slice %arg2[%dma_wait3A_119, %dma_wait3A_120] : memref<10000x128xf32, #tpu.memory_space<hbm>> -> memref<10000x128xf32, #tpu.memory_space<hbm>>
        tpu.wait_indirect_dma semaphore(%arg17 : memref<!tpu.dma_semaphore, #tpu.memory_space<semaphore_mem>>) src(%dma_wait3A_121 : memref<10000x128xf32, #tpu.memory_space<hbm>>) dst(%dma_wait3A_117 : memref<40x128xf32, #tpu.memory_space<vmem>>)
        %mul3A_122 = arith.constant 80 : i32
        %mul3A_123 = arith.muli %scan3A_81, %mul3A_122 : i32
        %add3A_124 = arith.constant 40 : i32
        %add3A_125 = arith.addi %mul3A_123, %add3A_124 : i32
        %multiple_of3A_126 = tpu.assume_multiple %add3A_125, 40 : i32
        %dma_wait3A_127 = arith.constant 40 : i32
        %dma_wait3A_128 = arith.constant 0 : i32
        %dma_wait3A_129 = tpu.memref_slice %arg14[%dma_wait3A_127, %dma_wait3A_128] : memref<80x128xf32, #tpu.memory_space<vmem>> -> memref<40x128xf32, #tpu.memory_space<vmem>>
        %dma_wait3A_130 = tpu.memref_slice %arg12[%multiple_of3A_126] : memref<10000xi32, #tpu.memory_space<vmem>> -> memref<40xi32, #tpu.memory_space<vmem>>
        %dma_wait3A_131 = arith.constant 0 : i32
        %dma_wait3A_132 = arith.constant 0 : i32
        %dma_wait3A_133 = tpu.memref_slice %arg2[%dma_wait3A_131, %dma_wait3A_132] : memref<10000x128xf32, #tpu.memory_space<hbm>> -> memref<10000x128xf32, #tpu.memory_space<hbm>>
        tpu.wait_indirect_dma semaphore(%arg18 : memref<!tpu.dma_semaphore, #tpu.memory_space<semaphore_mem>>) src(%dma_wait3A_133 : memref<10000x128xf32, #tpu.memory_space<hbm>>) dst(%dma_wait3A_129 : memref<40x128xf32, #tpu.memory_space<vmem>>)
        %dma_start3A_134 = arith.constant 0 : i32
        %dma_start3A_135 = tpu.memref_slice %arg13[%scan3A_81, %dma_start3A_134] : memref<125x80xi32, #tpu.memory_space<vmem>> -> memref<1x80xi32, #tpu.memory_space<vmem>>
        %dma_start3A_136 = tpu.memref_squeeze %dma_start3A_135 : memref<1x80xi32, #tpu.memory_space<vmem>> -> memref<80xi32, #tpu.memory_space<vmem>>
        %dma_start3A_137 = arith.constant 0 : i32
        %dma_start3A_138 = arith.constant 0 : i32
        %dma_start3A_139 = tpu.memref_slice %arg16[%dma_start3A_137, %dma_start3A_138] : memref<10000x128xf32, #tpu.memory_space<vmem_shared>> -> memref<10000x128xf32, #tpu.memory_space<vmem_shared>>
        tpu.enqueue_indirect_dma source(%arg14 : memref<80x128xf32, #tpu.memory_space<vmem>>) target(%dma_start3A_139 : memref<10000x128xf32, #tpu.memory_space<vmem_shared>>) offsets(%dma_start3A_136 : memref<80xi32, #tpu.memory_space<vmem>>) semaphore(%arg21 : memref<!tpu.dma_semaphore, #tpu.memory_space<semaphore_mem>>) {add = true}
      } else {
      }
      %not3A = arith.constant true
      %not3A_96 = arith.xori %eq3A_85, %not3A : i1
      %convert_element_type3A_97 = arith.extui %not3A_96 : i1 to i32
      %cond3A_98 = arith.constant 0 : i32
      %cond3A_99 = arith.cmpi ne, %convert_element_type3A_97, %cond3A_98 : i32
      scf.if %cond3A_99 {
        %mul3A_110 = arith.constant 80 : i32
        %mul3A_111 = arith.muli %scan3A_81, %mul3A_110 : i32
        %add3A_112 = arith.constant 0 : i32
        %add3A_113 = arith.addi %mul3A_111, %add3A_112 : i32
        %multiple_of3A_114 = tpu.assume_multiple %add3A_113, 40 : i32
        %dma_wait3A_115 = arith.constant 0 : i32
        %dma_wait3A_116 = arith.constant 0 : i32
        %dma_wait3A_117 = tpu.memref_slice %arg15[%dma_wait3A_115, %dma_wait3A_116] : memref<80x128xf32, #tpu.memory_space<vmem>> -> memref<40x128xf32, #tpu.memory_space<vmem>>
        %dma_wait3A_118 = tpu.memref_slice %arg12[%multiple_of3A_114] : memref<10000xi32, #tpu.memory_space<vmem>> -> memref<40xi32, #tpu.memory_space<vmem>>
        %dma_wait3A_119 = arith.constant 0 : i32
        %dma_wait3A_120 = arith.constant 0 : i32
        %dma_wait3A_121 = tpu.memref_slice %arg2[%dma_wait3A_119, %dma_wait3A_120] : memref<10000x128xf32, #tpu.memory_space<hbm>> -> memref<10000x128xf32, #tpu.memory_space<hbm>>
        tpu.wait_indirect_dma semaphore(%arg19 : memref<!tpu.dma_semaphore, #tpu.memory_space<semaphore_mem>>) src(%dma_wait3A_121 : memref<10000x128xf32, #tpu.memory_space<hbm>>) dst(%dma_wait3A_117 : memref<40x128xf32, #tpu.memory_space<vmem>>)
        %mul3A_122 = arith.constant 80 : i32
        %mul3A_123 = arith.muli %scan3A_81, %mul3A_122 : i32
        %add3A_124 = arith.constant 40 : i32
        %add3A_125 = arith.addi %mul3A_123, %add3A_124 : i32
        %multiple_of3A_126 = tpu.assume_multiple %add3A_125, 40 : i32
        %dma_wait3A_127 = arith.constant 40 : i32
        %dma_wait3A_128 = arith.constant 0 : i32
        %dma_wait3A_129 = tpu.memref_slice %arg15[%dma_wait3A_127, %dma_wait3A_128] : memref<80x128xf32, #tpu.memory_space<vmem>> -> memref<40x128xf32, #tpu.memory_space<vmem>>
        %dma_wait3A_130 = tpu.memref_slice %arg12[%multiple_of3A_126] : memref<10000xi32, #tpu.memory_space<vmem>> -> memref<40xi32, #tpu.memory_space<vmem>>
        %dma_wait3A_131 = arith.constant 0 : i32
        %dma_wait3A_132 = arith.constant 0 : i32
        %dma_wait3A_133 = tpu.memref_slice %arg2[%dma_wait3A_131, %dma_wait3A_132] : memref<10000x128xf32, #tpu.memory_space<hbm>> -> memref<10000x128xf32, #tpu.memory_space<hbm>>
        tpu.wait_indirect_dma semaphore(%arg20 : memref<!tpu.dma_semaphore, #tpu.memory_space<semaphore_mem>>) src(%dma_wait3A_133 : memref<10000x128xf32, #tpu.memory_space<hbm>>) dst(%dma_wait3A_129 : memref<40x128xf32, #tpu.memory_space<vmem>>)
        %dma_start3A_134 = arith.constant 0 : i32
        %dma_start3A_135 = tpu.memref_slice %arg13[%scan3A_81, %dma_start3A_134] : memref<125x80xi32, #tpu.memory_space<vmem>> -> memref<1x80xi32, #tpu.memory_space<vmem>>
        %dma_start3A_136 = tpu.memref_squeeze %dma_start3A_135 : memref<1x80xi32, #tpu.memory_space<vmem>> -> memref<80xi32, #tpu.memory_space<vmem>>
        %dma_start3A_137 = arith.constant 0 : i32
        %dma_start3A_138 = arith.constant 0 : i32
        %dma_start3A_139 = tpu.memref_slice %arg16[%dma_start3A_137, %dma_start3A_138] : memref<10000x128xf32, #tpu.memory_space<vmem_shared>> -> memref<10000x128xf32, #tpu.memory_space<vmem_shared>>
        tpu.enqueue_indirect_dma source(%arg15 : memref<80x128xf32, #tpu.memory_space<vmem>>) target(%dma_start3A_139 : memref<10000x128xf32, #tpu.memory_space<vmem_shared>>) offsets(%dma_start3A_136 : memref<80xi32, #tpu.memory_space<vmem>>) semaphore(%arg22 : memref<!tpu.dma_semaphore, #tpu.memory_space<semaphore_mem>>) {add = true}
      } else {
      }
      %ge3A = arith.constant 1 : i32
      %ge3A_100 = arith.cmpi sge, %scan3A_81, %ge3A : i32
      %convert_element_type3A_101 = arith.extui %ge3A_100 : i1 to i32
      %cond3A_102 = arith.constant 0 : i32
      %cond3A_103 = arith.cmpi ne, %convert_element_type3A_101, %cond3A_102 : i32
      scf.if %cond3A_103 {
        %sub3A = arith.constant 1 : i32
        %sub3A_110 = arith.subi %scan3A_81, %sub3A : i32
        %dma_wait3A_111 = arith.constant 0 : i32
        %dma_wait3A_112 = tpu.memref_slice %arg13[%sub3A_110, %dma_wait3A_111] : memref<125x80xi32, #tpu.memory_space<vmem>> -> memref<1x80xi32, #tpu.memory_space<vmem>>
        %dma_wait3A_113 = tpu.memref_squeeze %dma_wait3A_112 : memref<1x80xi32, #tpu.memory_space<vmem>> -> memref<80xi32, #tpu.memory_space<vmem>>
        %dma_wait3A_114 = arith.constant 0 : i32
        %dma_wait3A_115 = tpu.memref_slice %arg24[%dma_wait3A_114] : memref<10000xf32, #tpu.memory_space<vmem_shared>> -> memref<10000xf32, #tpu.memory_space<vmem_shared>>
        tpu.wait_indirect_dma semaphore(%arg25 : memref<!tpu.dma_semaphore, #tpu.memory_space<semaphore_mem>>) src(%arg23 : memref<80xf32, #tpu.memory_space<vmem>>) dst(%dma_wait3A_115 : memref<10000xf32, #tpu.memory_space<vmem_shared>>)
      } else {
      }
      %dma_start3A_104 = arith.constant 0 : i32
      %dma_start3A_105 = tpu.memref_slice %arg13[%scan3A_81, %dma_start3A_104] : memref<125x80xi32, #tpu.memory_space<vmem>> -> memref<1x80xi32, #tpu.memory_space<vmem>>
      %dma_start3A_106 = tpu.memref_squeeze %dma_start3A_105 : memref<1x80xi32, #tpu.memory_space<vmem>> -> memref<80xi32, #tpu.memory_space<vmem>>
      %dma_start3A_107 = arith.constant 0 : i32
      %dma_start3A_108 = tpu.memref_slice %arg24[%dma_start3A_107] : memref<10000xf32, #tpu.memory_space<vmem_shared>> -> memref<10000xf32, #tpu.memory_space<vmem_shared>>
      tpu.enqueue_indirect_dma source(%arg23 : memref<80xf32, #tpu.memory_space<vmem>>) target(%dma_start3A_108 : memref<10000xf32, #tpu.memory_space<vmem_shared>>) offsets(%dma_start3A_106 : memref<80xi32, #tpu.memory_space<vmem>>) semaphore(%arg25 : memref<!tpu.dma_semaphore, #tpu.memory_space<semaphore_mem>>) {add = true}
      %scan3A_109 = arith.constant 0 : i32
      scf.yield %scan3A_109 : i32
    }
    %scan3A_35 = arith.constant 125 : i32
    %dma_wait3A = arith.constant 123 : i32
    %dma_wait3A_36 = arith.constant 0 : i32
    %dma_wait3A_37 = tpu.memref_slice %arg13[%dma_wait3A, %dma_wait3A_36] : memref<125x80xi32, #tpu.memory_space<vmem>> -> memref<1x80xi32, #tpu.memory_space<vmem>>
    %dma_wait3A_38 = tpu.memref_squeeze %dma_wait3A_37 : memref<1x80xi32, #tpu.memory_space<vmem>> -> memref<80xi32, #tpu.memory_space<vmem>>
    %dma_wait3A_39 = arith.constant 0 : i32
    %dma_wait3A_40 = arith.constant 0 : i32
    %dma_wait3A_41 = tpu.memref_slice %arg16[%dma_wait3A_39, %dma_wait3A_40] : memref<10000x128xf32, #tpu.memory_space<vmem_shared>> -> memref<10000x128xf32, #tpu.memory_space<vmem_shared>>
    tpu.wait_indirect_dma semaphore(%arg22 : memref<!tpu.dma_semaphore, #tpu.memory_space<semaphore_mem>>) src(%arg15 : memref<80x128xf32, #tpu.memory_space<vmem>>) dst(%dma_wait3A_41 : memref<10000x128xf32, #tpu.memory_space<vmem_shared>>)
    %dma_wait3A_42 = arith.constant 124 : i32
    %dma_wait3A_43 = arith.constant 0 : i32
    %dma_wait3A_44 = tpu.memref_slice %arg13[%dma_wait3A_42, %dma_wait3A_43] : memref<125x80xi32, #tpu.memory_space<vmem>> -> memref<1x80xi32, #tpu.memory_space<vmem>>
    %dma_wait3A_45 = tpu.memref_squeeze %dma_wait3A_44 : memref<1x80xi32, #tpu.memory_space<vmem>> -> memref<80xi32, #tpu.memory_space<vmem>>
    %dma_wait3A_46 = arith.constant 0 : i32
    %dma_wait3A_47 = arith.constant 0 : i32
    %dma_wait3A_48 = tpu.memref_slice %arg16[%dma_wait3A_46, %dma_wait3A_47] : memref<10000x128xf32, #tpu.memory_space<vmem_shared>> -> memref<10000x128xf32, #tpu.memory_space<vmem_shared>>
    tpu.wait_indirect_dma semaphore(%arg21 : memref<!tpu.dma_semaphore, #tpu.memory_space<semaphore_mem>>) src(%arg14 : memref<80x128xf32, #tpu.memory_space<vmem>>) dst(%dma_wait3A_48 : memref<10000x128xf32, #tpu.memory_space<vmem_shared>>)
    %dma_wait3A_49 = arith.constant 124 : i32
    %dma_wait3A_50 = arith.constant 0 : i32
    %dma_wait3A_51 = tpu.memref_slice %arg13[%dma_wait3A_49, %dma_wait3A_50] : memref<125x80xi32, #tpu.memory_space<vmem>> -> memref<1x80xi32, #tpu.memory_space<vmem>>
    %dma_wait3A_52 = tpu.memref_squeeze %dma_wait3A_51 : memref<1x80xi32, #tpu.memory_space<vmem>> -> memref<80xi32, #tpu.memory_space<vmem>>
    %dma_wait3A_53 = arith.constant 0 : i32
    %dma_wait3A_54 = tpu.memref_slice %arg24[%dma_wait3A_53] : memref<10000xf32, #tpu.memory_space<vmem_shared>> -> memref<10000xf32, #tpu.memory_space<vmem_shared>>
    tpu.wait_indirect_dma semaphore(%arg25 : memref<!tpu.dma_semaphore, #tpu.memory_space<semaphore_mem>>) src(%arg23 : memref<80xf32, #tpu.memory_space<vmem>>) dst(%dma_wait3A_54 : memref<10000xf32, #tpu.memory_space<vmem_shared>>)
    %barrier3A_55 = arith.constant 0 : index
    tpu.barrier barrier_id(%barrier3A_55)
    %eq3A_56 = arith.constant 0 : i32
    %eq3A_57 = arith.cmpi eq, %arg0, %eq3A_56 : i32
    %convert_element_type3A_58 = arith.extui %eq3A_57 : i1 to i32
    %cond3A_59 = arith.constant 0 : i32
    %cond3A_60 = arith.cmpi ne, %convert_element_type3A_58, %cond3A_59 : i32
    scf.if %cond3A_60 {
      %lt3A_81 = arith.constant 15 : i32
      %lt3A_82 = arith.cmpi slt, %arg1, %lt3A_81 : i32
      %convert_element_type3A_83 = arith.extui %lt3A_82 : i1 to i32
      %cond3A_84 = arith.constant 0 : i32
      %cond3A_85 = arith.cmpi ne, %convert_element_type3A_83, %cond3A_84 : i32
      scf.if %cond3A_85 {
        %mul3A_91 = arith.constant 624 : i32
        %mul3A_92 = arith.muli %arg1, %mul3A_91 : i32
        %mul3A_93 = arith.constant 624 : i32
        %mul3A_94 = arith.muli %arg1, %mul3A_93 : i32
        "tpu.region"() ({
          %run_scoped3A = tpu.sem_alloc : memref<!tpu.dma_semaphore, #tpu.memory_space<semaphore_mem>>
          %dma_start3A_95 = arith.constant 0 : i32
          %dma_start3A_96 = tpu.memref_slice %arg8[%mul3A_94, %dma_start3A_95] : memref<10000x128xf32, #tpu.memory_space<hbm>> -> memref<624x128xf32, #tpu.memory_space<hbm>>
          %dma_start3A_97 = arith.constant 0 : i32
          %dma_start3A_98 = tpu.memref_slice %arg16[%mul3A_92, %dma_start3A_97] : memref<10000x128xf32, #tpu.memory_space<vmem_shared>> -> memref<624x128xf32, #tpu.memory_space<vmem_shared>>
          tpu.enqueue_dma source(%dma_start3A_98 : memref<624x128xf32, #tpu.memory_space<vmem_shared>>) target(%dma_start3A_96 : memref<624x128xf32, #tpu.memory_space<hbm>>) target_semaphore(%run_scoped3A : memref<!tpu.dma_semaphore, #tpu.memory_space<semaphore_mem>>)
          %dma_wait3A_99 = arith.constant 0 : i32
          %dma_wait3A_100 = tpu.memref_slice %arg8[%mul3A_94, %dma_wait3A_99] : memref<10000x128xf32, #tpu.memory_space<hbm>> -> memref<624x128xf32, #tpu.memory_space<hbm>>
          %dma_wait3A_101 = arith.constant 0 : i32
          %dma_wait3A_102 = tpu.memref_slice %arg16[%mul3A_92, %dma_wait3A_101] : memref<10000x128xf32, #tpu.memory_space<vmem_shared>> -> memref<624x128xf32, #tpu.memory_space<vmem_shared>>
          tpu.wait_dma2 semaphore(%run_scoped3A : memref<!tpu.dma_semaphore, #tpu.memory_space<semaphore_mem>>) src(%dma_wait3A_102 : memref<624x128xf32, #tpu.memory_space<vmem_shared>>) dst(%dma_wait3A_100 : memref<624x128xf32, #tpu.memory_space<hbm>>)
          tpu.yield
        }) : () -> ()
      } else {
      }
      %eq3A_86 = arith.constant 15 : i32
      %eq3A_87 = arith.cmpi eq, %arg1, %eq3A_86 : i32
      %convert_element_type3A_88 = arith.extui %eq3A_87 : i1 to i32
      %cond3A_89 = arith.constant 0 : i32
      %cond3A_90 = arith.cmpi ne, %convert_element_type3A_88, %cond3A_89 : i32
      scf.if %cond3A_90 {
        "tpu.region"() ({
          %run_scoped3A = tpu.sem_alloc : memref<!tpu.dma_semaphore, #tpu.memory_space<semaphore_mem>>
          %dma_start3A_91 = arith.constant 9360 : i32
          %dma_start3A_92 = arith.constant 0 : i32
          %dma_start3A_93 = tpu.memref_slice %arg8[%dma_start3A_91, %dma_start3A_92] : memref<10000x128xf32, #tpu.memory_space<hbm>> -> memref<640x128xf32, #tpu.memory_space<hbm>>
          %dma_start3A_94 = arith.constant 9360 : i32
          %dma_start3A_95 = arith.constant 0 : i32
          %dma_start3A_96 = tpu.memref_slice %arg16[%dma_start3A_94, %dma_start3A_95] : memref<10000x128xf32, #tpu.memory_space<vmem_shared>> -> memref<640x128xf32, #tpu.memory_space<vmem_shared>>
          tpu.enqueue_dma source(%dma_start3A_96 : memref<640x128xf32, #tpu.memory_space<vmem_shared>>) target(%dma_start3A_93 : memref<640x128xf32, #tpu.memory_space<hbm>>) target_semaphore(%run_scoped3A : memref<!tpu.dma_semaphore, #tpu.memory_space<semaphore_mem>>)
          %dma_wait3A_97 = arith.constant 9360 : i32
          %dma_wait3A_98 = arith.constant 0 : i32
          %dma_wait3A_99 = tpu.memref_slice %arg8[%dma_wait3A_97, %dma_wait3A_98] : memref<10000x128xf32, #tpu.memory_space<hbm>> -> memref<640x128xf32, #tpu.memory_space<hbm>>
          %dma_wait3A_100 = arith.constant 9360 : i32
          %dma_wait3A_101 = arith.constant 0 : i32
          %dma_wait3A_102 = tpu.memref_slice %arg16[%dma_wait3A_100, %dma_wait3A_101] : memref<10000x128xf32, #tpu.memory_space<vmem_shared>> -> memref<640x128xf32, #tpu.memory_space<vmem_shared>>
          tpu.wait_dma2 semaphore(%run_scoped3A : memref<!tpu.dma_semaphore, #tpu.memory_space<semaphore_mem>>) src(%dma_wait3A_102 : memref<640x128xf32, #tpu.memory_space<vmem_shared>>) dst(%dma_wait3A_99 : memref<640x128xf32, #tpu.memory_space<hbm>>)
          tpu.yield
        }) : () -> ()
      } else {
      }
    } else {
    }
    %eq3A_61 = arith.constant 1 : i32
    %eq3A_62 = arith.cmpi eq, %arg0, %eq3A_61 : i32
    %convert_element_type3A_63 = arith.extui %eq3A_62 : i1 to i32
    %cond3A_64 = arith.constant 0 : i32
    %cond3A_65 = arith.cmpi ne, %convert_element_type3A_63, %cond3A_64 : i32
    scf.if %cond3A_65 {
      %lt3A_81 = arith.constant 15 : i32
      %lt3A_82 = arith.cmpi slt, %arg1, %lt3A_81 : i32
      %convert_element_type3A_83 = arith.extui %lt3A_82 : i1 to i32
      %cond3A_84 = arith.constant 0 : i32
      %cond3A_85 = arith.cmpi ne, %convert_element_type3A_83, %cond3A_84 : i32
      scf.if %cond3A_85 {
        %mul3A_91 = arith.constant 624 : i32
        %mul3A_92 = arith.muli %arg1, %mul3A_91 : i32
        %mul3A_93 = arith.constant 624 : i32
        %mul3A_94 = arith.muli %arg1, %mul3A_93 : i32
        "tpu.region"() ({
          %run_scoped3A = tpu.sem_alloc : memref<!tpu.dma_semaphore, #tpu.memory_space<semaphore_mem>>
          %dma_start3A_95 = arith.constant 0 : i32
          %dma_start3A_96 = tpu.memref_slice %arg9[%mul3A_94, %dma_start3A_95] : memref<10000x128xf32, #tpu.memory_space<hbm>> -> memref<624x128xf32, #tpu.memory_space<hbm>>
          %dma_start3A_97 = arith.constant 0 : i32
          %dma_start3A_98 = tpu.memref_slice %arg16[%mul3A_92, %dma_start3A_97] : memref<10000x128xf32, #tpu.memory_space<vmem_shared>> -> memref<624x128xf32, #tpu.memory_space<vmem_shared>>
          tpu.enqueue_dma source(%dma_start3A_98 : memref<624x128xf32, #tpu.memory_space<vmem_shared>>) target(%dma_start3A_96 : memref<624x128xf32, #tpu.memory_space<hbm>>) target_semaphore(%run_scoped3A : memref<!tpu.dma_semaphore, #tpu.memory_space<semaphore_mem>>)
          %dma_wait3A_99 = arith.constant 0 : i32
          %dma_wait3A_100 = tpu.memref_slice %arg9[%mul3A_94, %dma_wait3A_99] : memref<10000x128xf32, #tpu.memory_space<hbm>> -> memref<624x128xf32, #tpu.memory_space<hbm>>
          %dma_wait3A_101 = arith.constant 0 : i32
          %dma_wait3A_102 = tpu.memref_slice %arg16[%mul3A_92, %dma_wait3A_101] : memref<10000x128xf32, #tpu.memory_space<vmem_shared>> -> memref<624x128xf32, #tpu.memory_space<vmem_shared>>
          tpu.wait_dma2 semaphore(%run_scoped3A : memref<!tpu.dma_semaphore, #tpu.memory_space<semaphore_mem>>) src(%dma_wait3A_102 : memref<624x128xf32, #tpu.memory_space<vmem_shared>>) dst(%dma_wait3A_100 : memref<624x128xf32, #tpu.memory_space<hbm>>)
          tpu.yield
        }) : () -> ()
      } else {
      }
      %eq3A_86 = arith.constant 15 : i32
      %eq3A_87 = arith.cmpi eq, %arg1, %eq3A_86 : i32
      %convert_element_type3A_88 = arith.extui %eq3A_87 : i1 to i32
      %cond3A_89 = arith.constant 0 : i32
      %cond3A_90 = arith.cmpi ne, %convert_element_type3A_88, %cond3A_89 : i32
      scf.if %cond3A_90 {
        "tpu.region"() ({
          %run_scoped3A = tpu.sem_alloc : memref<!tpu.dma_semaphore, #tpu.memory_space<semaphore_mem>>
          %dma_start3A_91 = arith.constant 9360 : i32
          %dma_start3A_92 = arith.constant 0 : i32
          %dma_start3A_93 = tpu.memref_slice %arg9[%dma_start3A_91, %dma_start3A_92] : memref<10000x128xf32, #tpu.memory_space<hbm>> -> memref<640x128xf32, #tpu.memory_space<hbm>>
          %dma_start3A_94 = arith.constant 9360 : i32
          %dma_start3A_95 = arith.constant 0 : i32
          %dma_start3A_96 = tpu.memref_slice %arg16[%dma_start3A_94, %dma_start3A_95] : memref<10000x128xf32, #tpu.memory_space<vmem_shared>> -> memref<640x128xf32, #tpu.memory_space<vmem_shared>>
          tpu.enqueue_dma source(%dma_start3A_96 : memref<640x128xf32, #tpu.memory_space<vmem_shared>>) target(%dma_start3A_93 : memref<640x128xf32, #tpu.memory_space<hbm>>) target_semaphore(%run_scoped3A : memref<!tpu.dma_semaphore, #tpu.memory_space<semaphore_mem>>)
          %dma_wait3A_97 = arith.constant 9360 : i32
          %dma_wait3A_98 = arith.constant 0 : i32
          %dma_wait3A_99 = tpu.memref_slice %arg9[%dma_wait3A_97, %dma_wait3A_98] : memref<10000x128xf32, #tpu.memory_space<hbm>> -> memref<640x128xf32, #tpu.memory_space<hbm>>
          %dma_wait3A_100 = arith.constant 9360 : i32
          %dma_wait3A_101 = arith.constant 0 : i32
          %dma_wait3A_102 = tpu.memref_slice %arg16[%dma_wait3A_100, %dma_wait3A_101] : memref<10000x128xf32, #tpu.memory_space<vmem_shared>> -> memref<640x128xf32, #tpu.memory_space<vmem_shared>>
          tpu.wait_dma2 semaphore(%run_scoped3A : memref<!tpu.dma_semaphore, #tpu.memory_space<semaphore_mem>>) src(%dma_wait3A_102 : memref<640x128xf32, #tpu.memory_space<vmem_shared>>) dst(%dma_wait3A_99 : memref<640x128xf32, #tpu.memory_space<hbm>>)
          tpu.yield
        }) : () -> ()
      } else {
      }
    } else {
    }
    %eq3A_66 = arith.constant 0 : i32
    %eq3A_67 = arith.cmpi eq, %arg0, %eq3A_66 : i32
    %eq3A_68 = arith.constant 0 : i32
    %eq3A_69 = arith.cmpi eq, %arg1, %eq3A_68 : i32
    %and3A = arith.andi %eq3A_67, %eq3A_69 : i1
    %convert_element_type3A_70 = arith.extui %and3A : i1 to i32
    %cond3A_71 = arith.constant 0 : i32
    %cond3A_72 = arith.cmpi ne, %convert_element_type3A_70, %cond3A_71 : i32
    scf.if %cond3A_72 {
      "tpu.region"() ({
        %run_scoped3A = tpu.sem_alloc : memref<!tpu.dma_semaphore, #tpu.memory_space<semaphore_mem>>
        tpu.enqueue_dma source(%arg24 : memref<10000xf32, #tpu.memory_space<vmem_shared>>) target(%arg10 : memref<10000xf32, #tpu.memory_space<hbm>>) target_semaphore(%run_scoped3A : memref<!tpu.dma_semaphore, #tpu.memory_space<semaphore_mem>>)
        tpu.wait_dma2 semaphore(%run_scoped3A : memref<!tpu.dma_semaphore, #tpu.memory_space<semaphore_mem>>) src(%arg24 : memref<10000xf32, #tpu.memory_space<vmem_shared>>) dst(%arg10 : memref<10000xf32, #tpu.memory_space<hbm>>)
        tpu.yield
      }) : () -> ()
    } else {
    }
    %eq3A_73 = arith.constant 1 : i32
    %eq3A_74 = arith.cmpi eq, %arg0, %eq3A_73 : i32
    %eq3A_75 = arith.constant 0 : i32
    %eq3A_76 = arith.cmpi eq, %arg1, %eq3A_75 : i32
    %and3A_77 = arith.andi %eq3A_74, %eq3A_76 : i1
    %convert_element_type3A_78 = arith.extui %and3A_77 : i1 to i32
    %cond3A_79 = arith.constant 0 : i32
    %cond3A_80 = arith.cmpi ne, %convert_element_type3A_78, %cond3A_79 : i32
    scf.if %cond3A_80 {
      "tpu.region"() ({
        %run_scoped3A = tpu.sem_alloc : memref<!tpu.dma_semaphore, #tpu.memory_space<semaphore_mem>>
        tpu.enqueue_dma source(%arg24 : memref<10000xf32, #tpu.memory_space<vmem_shared>>) target(%arg11 : memref<10000xf32, #tpu.memory_space<hbm>>) target_semaphore(%run_scoped3A : memref<!tpu.dma_semaphore, #tpu.memory_space<semaphore_mem>>)
        tpu.wait_dma2 semaphore(%run_scoped3A : memref<!tpu.dma_semaphore, #tpu.memory_space<semaphore_mem>>) src(%arg24 : memref<10000xf32, #tpu.memory_space<vmem_shared>>) dst(%arg11 : memref<10000xf32, #tpu.memory_space<hbm>>)
        tpu.yield
      }) : () -> ()
    } else {
    }
    return
  }
}

#map = affine_map<(d0, d1) -> (0, 0)>
#map1 = affine_map<(d0, d1) -> (0)>
#map2 = affine_map<(d0, d1) -> (0, 0, 0)>
module attributes {stable_mosaic.version = 14 : i64} {
  func.func @body(%arg0: i32, %arg1: i32, %arg2: memref<10000x128xf32, #tpu.memory_space<hbm>>, %arg3: memref<320000xi32, #tpu.memory_space<hbm>>, %arg4: memref<32x125x80xi32, #tpu.memory_space<hbm>>, %arg5: memref<10000x128xf32, #tpu.memory_space<hbm>>, %arg6: memref<10000xf32, #tpu.memory_space<hbm>>, %arg7: memref<80xf32, #tpu.memory_space<hbm>>, %arg8: memref<10000x128xf32, #tpu.memory_space<hbm>>, %arg9: memref<10000x128xf32, #tpu.memory_space<hbm>>, %arg10: memref<10000xi32, #tpu.memory_space<vmem>>, %arg11: memref<125x80xi32, #tpu.memory_space<vmem>>, %arg12: memref<80x128xf32, #tpu.memory_space<vmem>>, %arg13: memref<80x128xf32, #tpu.memory_space<vmem>>, %arg14: memref<10000x128xf32, #tpu.memory_space<vmem_shared>>, %arg15: memref<!tpu.dma_semaphore, #tpu.memory_space<semaphore_mem>>, %arg16: memref<!tpu.dma_semaphore, #tpu.memory_space<semaphore_mem>>, %arg17: memref<!tpu.dma_semaphore, #tpu.memory_space<semaphore_mem>>, %arg18: memref<!tpu.dma_semaphore, #tpu.memory_space<semaphore_mem>>, %arg19: memref<!tpu.dma_semaphore, #tpu.memory_space<semaphore_mem>>, %arg20: memref<!tpu.dma_semaphore, #tpu.memory_space<semaphore_mem>>) attributes {dimension_semantics = [#tpu.dimension_semantics<core_parallel>, #tpu.dimension_semantics<subcore_parallel>], iteration_bounds = array<i64: 2, 16>, scalar_prefetch = 0 : i64, scratch_operands = 11 : i64, tpu.core_type = #tpu.core_type<sc_vector_subcore>, window_params = [{transform_indices = #map}, {transform_indices = #map1}, {transform_indices = #map2}, {transform_indices = #map}, {transform_indices = #map1}, {transform_indices = #map1}, {transform_indices = #map}, {transform_indices = #map}]} {
    %mul3A = arith.constant 16 : i32
    %mul3A_0 = arith.muli %arg0, %mul3A : i32
    %add3A = arith.addi %mul3A_0, %arg1 : i32
    %lt3A = arith.constant 15 : i32
    %lt3A_1 = arith.cmpi slt, %arg1, %lt3A : i32
    %convert_element_type3A = arith.extui %lt3A_1 : i1 to i32
    %cond3A = arith.constant 0 : i32
    %cond3A_2 = arith.cmpi ne, %convert_element_type3A, %cond3A : i32
    scf.if %cond3A_2 {
      %mul3A_55 = arith.constant 624 : i32
      %mul3A_56 = arith.muli %arg1, %mul3A_55 : i32
      %mul3A_57 = arith.constant 624 : i32
      %mul3A_58 = arith.muli %arg1, %mul3A_57 : i32
      "tpu.region"() ({
        %run_scoped3A = tpu.sem_alloc : memref<!tpu.dma_semaphore, #tpu.memory_space<semaphore_mem>>
        %dma_start3A_59 = arith.constant 0 : i32
        %dma_start3A_60 = tpu.memref_slice %arg14[%mul3A_58, %dma_start3A_59] : memref<10000x128xf32, #tpu.memory_space<vmem_shared>> -> memref<624x128xf32, #tpu.memory_space<vmem_shared>>
        %dma_start3A_61 = arith.constant 0 : i32
        %dma_start3A_62 = tpu.memref_slice %arg5[%mul3A_56, %dma_start3A_61] : memref<10000x128xf32, #tpu.memory_space<hbm>> -> memref<624x128xf32, #tpu.memory_space<hbm>>
        tpu.enqueue_dma source(%dma_start3A_62 : memref<624x128xf32, #tpu.memory_space<hbm>>) target(%dma_start3A_60 : memref<624x128xf32, #tpu.memory_space<vmem_shared>>) target_semaphore(%run_scoped3A : memref<!tpu.dma_semaphore, #tpu.memory_space<semaphore_mem>>)
        %dma_wait3A_63 = arith.constant 0 : i32
        %dma_wait3A_64 = tpu.memref_slice %arg14[%mul3A_58, %dma_wait3A_63] : memref<10000x128xf32, #tpu.memory_space<vmem_shared>> -> memref<624x128xf32, #tpu.memory_space<vmem_shared>>
        %dma_wait3A_65 = arith.constant 0 : i32
        %dma_wait3A_66 = tpu.memref_slice %arg5[%mul3A_56, %dma_wait3A_65] : memref<10000x128xf32, #tpu.memory_space<hbm>> -> memref<624x128xf32, #tpu.memory_space<hbm>>
        tpu.wait_dma2 semaphore(%run_scoped3A : memref<!tpu.dma_semaphore, #tpu.memory_space<semaphore_mem>>) src(%dma_wait3A_66 : memref<624x128xf32, #tpu.memory_space<hbm>>) dst(%dma_wait3A_64 : memref<624x128xf32, #tpu.memory_space<vmem_shared>>)
        tpu.yield
      }) : () -> ()
    } else {
    }
    %eq3A = arith.constant 15 : i32
    %eq3A_3 = arith.cmpi eq, %arg1, %eq3A : i32
    %convert_element_type3A_4 = arith.extui %eq3A_3 : i1 to i32
    %cond3A_5 = arith.constant 0 : i32
    %cond3A_6 = arith.cmpi ne, %convert_element_type3A_4, %cond3A_5 : i32
    scf.if %cond3A_6 {
      "tpu.region"() ({
        %run_scoped3A = tpu.sem_alloc : memref<!tpu.dma_semaphore, #tpu.memory_space<semaphore_mem>>
        %dma_start3A_55 = arith.constant 9360 : i32
        %dma_start3A_56 = arith.constant 0 : i32
        %dma_start3A_57 = tpu.memref_slice %arg14[%dma_start3A_55, %dma_start3A_56] : memref<10000x128xf32, #tpu.memory_space<vmem_shared>> -> memref<640x128xf32, #tpu.memory_space<vmem_shared>>
        %dma_start3A_58 = arith.constant 9360 : i32
        %dma_start3A_59 = arith.constant 0 : i32
        %dma_start3A_60 = tpu.memref_slice %arg5[%dma_start3A_58, %dma_start3A_59] : memref<10000x128xf32, #tpu.memory_space<hbm>> -> memref<640x128xf32, #tpu.memory_space<hbm>>
        tpu.enqueue_dma source(%dma_start3A_60 : memref<640x128xf32, #tpu.memory_space<hbm>>) target(%dma_start3A_57 : memref<640x128xf32, #tpu.memory_space<vmem_shared>>) target_semaphore(%run_scoped3A : memref<!tpu.dma_semaphore, #tpu.memory_space<semaphore_mem>>)
        %dma_wait3A_61 = arith.constant 9360 : i32
        %dma_wait3A_62 = arith.constant 0 : i32
        %dma_wait3A_63 = tpu.memref_slice %arg14[%dma_wait3A_61, %dma_wait3A_62] : memref<10000x128xf32, #tpu.memory_space<vmem_shared>> -> memref<640x128xf32, #tpu.memory_space<vmem_shared>>
        %dma_wait3A_64 = arith.constant 9360 : i32
        %dma_wait3A_65 = arith.constant 0 : i32
        %dma_wait3A_66 = tpu.memref_slice %arg5[%dma_wait3A_64, %dma_wait3A_65] : memref<10000x128xf32, #tpu.memory_space<hbm>> -> memref<640x128xf32, #tpu.memory_space<hbm>>
        tpu.wait_dma2 semaphore(%run_scoped3A : memref<!tpu.dma_semaphore, #tpu.memory_space<semaphore_mem>>) src(%dma_wait3A_66 : memref<640x128xf32, #tpu.memory_space<hbm>>) dst(%dma_wait3A_63 : memref<640x128xf32, #tpu.memory_space<vmem_shared>>)
        tpu.yield
      }) : () -> ()
    } else {
    }
    %mul3A_7 = arith.constant 10000 : i32
    %mul3A_8 = arith.muli %add3A, %mul3A_7 : i32
    "tpu.region"() ({
      %run_scoped3A = tpu.sem_alloc : memref<!tpu.dma_semaphore, #tpu.memory_space<semaphore_mem>>
      %dma_start3A_55 = tpu.memref_slice %arg3[%mul3A_8] : memref<320000xi32, #tpu.memory_space<hbm>> -> memref<10000xi32, #tpu.memory_space<hbm>>
      %dma_start3A_56 = tpu.memref_slice %arg3[%mul3A_8] : memref<320000xi32, #tpu.memory_space<hbm>> -> memref<10000xi32, #tpu.memory_space<hbm>>
      tpu.enqueue_dma source(%dma_start3A_56 : memref<10000xi32, #tpu.memory_space<hbm>>) target(%arg10 : memref<10000xi32, #tpu.memory_space<vmem>>) target_semaphore(%run_scoped3A : memref<!tpu.dma_semaphore, #tpu.memory_space<semaphore_mem>>)
      %dma_wait3A_57 = tpu.memref_slice %arg3[%mul3A_8] : memref<320000xi32, #tpu.memory_space<hbm>> -> memref<10000xi32, #tpu.memory_space<hbm>>
      %dma_wait3A_58 = tpu.memref_slice %arg3[%mul3A_8] : memref<320000xi32, #tpu.memory_space<hbm>> -> memref<10000xi32, #tpu.memory_space<hbm>>
      tpu.wait_dma2 semaphore(%run_scoped3A : memref<!tpu.dma_semaphore, #tpu.memory_space<semaphore_mem>>) src(%dma_wait3A_58 : memref<10000xi32, #tpu.memory_space<hbm>>) dst(%arg10 : memref<10000xi32, #tpu.memory_space<vmem>>)
      tpu.yield
    }) : () -> ()
    "tpu.region"() ({
      %run_scoped3A = tpu.sem_alloc : memref<!tpu.dma_semaphore, #tpu.memory_space<semaphore_mem>>
      %dma_start3A_55 = arith.constant 0 : i32
      %dma_start3A_56 = arith.constant 0 : i32
      %dma_start3A_57 = tpu.memref_slice %arg4[%add3A, %dma_start3A_55, %dma_start3A_56] : memref<32x125x80xi32, #tpu.memory_space<hbm>> -> memref<1x125x80xi32, #tpu.memory_space<hbm>>
      %dma_start3A_58 = tpu.memref_squeeze %dma_start3A_57 : memref<1x125x80xi32, #tpu.memory_space<hbm>> -> memref<125x80xi32, #tpu.memory_space<hbm>>
      %dma_start3A_59 = arith.constant 0 : i32
      %dma_start3A_60 = arith.constant 0 : i32
      %dma_start3A_61 = tpu.memref_slice %arg4[%add3A, %dma_start3A_59, %dma_start3A_60] : memref<32x125x80xi32, #tpu.memory_space<hbm>> -> memref<1x125x80xi32, #tpu.memory_space<hbm>>
      %dma_start3A_62 = tpu.memref_squeeze %dma_start3A_61 : memref<1x125x80xi32, #tpu.memory_space<hbm>> -> memref<125x80xi32, #tpu.memory_space<hbm>>
      tpu.enqueue_dma source(%dma_start3A_62 : memref<125x80xi32, #tpu.memory_space<hbm>>) target(%arg11 : memref<125x80xi32, #tpu.memory_space<vmem>>) target_semaphore(%run_scoped3A : memref<!tpu.dma_semaphore, #tpu.memory_space<semaphore_mem>>)
      %dma_wait3A_63 = arith.constant 0 : i32
      %dma_wait3A_64 = arith.constant 0 : i32
      %dma_wait3A_65 = tpu.memref_slice %arg4[%add3A, %dma_wait3A_63, %dma_wait3A_64] : memref<32x125x80xi32, #tpu.memory_space<hbm>> -> memref<1x125x80xi32, #tpu.memory_space<hbm>>
      %dma_wait3A_66 = tpu.memref_squeeze %dma_wait3A_65 : memref<1x125x80xi32, #tpu.memory_space<hbm>> -> memref<125x80xi32, #tpu.memory_space<hbm>>
      %dma_wait3A_67 = arith.constant 0 : i32
      %dma_wait3A_68 = arith.constant 0 : i32
      %dma_wait3A_69 = tpu.memref_slice %arg4[%add3A, %dma_wait3A_67, %dma_wait3A_68] : memref<32x125x80xi32, #tpu.memory_space<hbm>> -> memref<1x125x80xi32, #tpu.memory_space<hbm>>
      %dma_wait3A_70 = tpu.memref_squeeze %dma_wait3A_69 : memref<1x125x80xi32, #tpu.memory_space<hbm>> -> memref<125x80xi32, #tpu.memory_space<hbm>>
      tpu.wait_dma2 semaphore(%run_scoped3A : memref<!tpu.dma_semaphore, #tpu.memory_space<semaphore_mem>>) src(%dma_wait3A_70 : memref<125x80xi32, #tpu.memory_space<hbm>>) dst(%arg11 : memref<125x80xi32, #tpu.memory_space<vmem>>)
      tpu.yield
    }) : () -> ()
    %barrier3A = arith.constant 0 : index
    tpu.barrier barrier_id(%barrier3A)
    %multiple_of3A = arith.constant 0 : i32
    %multiple_of3A_9 = tpu.assume_multiple %multiple_of3A, 40 : i32
    %dma_start3A = arith.constant 0 : i32
    %dma_start3A_10 = arith.constant 0 : i32
    %dma_start3A_11 = tpu.memref_slice %arg12[%dma_start3A, %dma_start3A_10] : memref<80x128xf32, #tpu.memory_space<vmem>> -> memref<40x128xf32, #tpu.memory_space<vmem>>
    %dma_start3A_12 = tpu.memref_slice %arg10[%multiple_of3A_9] : memref<10000xi32, #tpu.memory_space<vmem>> -> memref<40xi32, #tpu.memory_space<vmem>>
    %dma_start3A_13 = arith.constant 0 : i32
    %dma_start3A_14 = arith.constant 0 : i32
    %dma_start3A_15 = tpu.memref_slice %arg2[%dma_start3A_13, %dma_start3A_14] : memref<10000x128xf32, #tpu.memory_space<hbm>> -> memref<10000x128xf32, #tpu.memory_space<hbm>>
    tpu.enqueue_indirect_dma source(%dma_start3A_15 : memref<10000x128xf32, #tpu.memory_space<hbm>>) target(%dma_start3A_11 : memref<40x128xf32, #tpu.memory_space<vmem>>) offsets(%dma_start3A_12 : memref<40xi32, #tpu.memory_space<vmem>>) semaphore(%arg15 : memref<!tpu.dma_semaphore, #tpu.memory_space<semaphore_mem>>)
    %multiple_of3A_16 = arith.constant 40 : i32
    %multiple_of3A_17 = tpu.assume_multiple %multiple_of3A_16, 40 : i32
    %dma_start3A_18 = arith.constant 40 : i32
    %dma_start3A_19 = arith.constant 0 : i32
    %dma_start3A_20 = tpu.memref_slice %arg12[%dma_start3A_18, %dma_start3A_19] : memref<80x128xf32, #tpu.memory_space<vmem>> -> memref<40x128xf32, #tpu.memory_space<vmem>>
    %dma_start3A_21 = tpu.memref_slice %arg10[%multiple_of3A_17] : memref<10000xi32, #tpu.memory_space<vmem>> -> memref<40xi32, #tpu.memory_space<vmem>>
    %dma_start3A_22 = arith.constant 0 : i32
    %dma_start3A_23 = arith.constant 0 : i32
    %dma_start3A_24 = tpu.memref_slice %arg2[%dma_start3A_22, %dma_start3A_23] : memref<10000x128xf32, #tpu.memory_space<hbm>> -> memref<10000x128xf32, #tpu.memory_space<hbm>>
    tpu.enqueue_indirect_dma source(%dma_start3A_24 : memref<10000x128xf32, #tpu.memory_space<hbm>>) target(%dma_start3A_20 : memref<40x128xf32, #tpu.memory_space<vmem>>) offsets(%dma_start3A_21 : memref<40xi32, #tpu.memory_space<vmem>>) semaphore(%arg16 : memref<!tpu.dma_semaphore, #tpu.memory_space<semaphore_mem>>)
    %scan3A = arith.constant 0 : i32
    %scan3A_25 = arith.constant 0 : i32
    %scan3A_26 = arith.constant 125 : i32
    %scan3A_27 = arith.addi %scan3A_25, %scan3A_26 : i32
    %scan3A_28 = arith.constant 1 : i32
    %scan3A_29 = scf.for %scan3A_55 = %scan3A_25 to %scan3A_27 step %scan3A_28 iter_args(%scan3A_56 = %scan3A) -> (i32)  : i32 {
      %rem3A = arith.constant 2 : i32
      %rem3A_57 = arith.remsi %scan3A_55, %rem3A : i32
      %eq3A_58 = arith.constant 0 : i32
      %eq3A_59 = arith.cmpi eq, %rem3A_57, %eq3A_58 : i32
      %add3A_60 = arith.constant 1 : i32
      %add3A_61 = arith.addi %scan3A_55, %add3A_60 : i32
      %lt3A_62 = arith.constant 125 : i32
      %lt3A_63 = arith.cmpi slt, %add3A_61, %lt3A_62 : i32
      %convert_element_type3A_64 = arith.extui %lt3A_63 : i1 to i32
      %cond3A_65 = arith.constant 0 : i32
      %cond3A_66 = arith.cmpi ne, %convert_element_type3A_64, %cond3A_65 : i32
      scf.if %cond3A_66 {
        %convert_element_type3A_75 = arith.extui %eq3A_59 : i1 to i32
        %cond3A_76 = arith.constant 0 : i32
        %cond3A_77 = arith.cmpi ne, %convert_element_type3A_75, %cond3A_76 : i32
        scf.if %cond3A_77 {
          %ge3A = arith.constant 1 : i32
          %ge3A_83 = arith.cmpi sge, %scan3A_55, %ge3A : i32
          %convert_element_type3A_84 = arith.extui %ge3A_83 : i1 to i32
          %cond3A_85 = arith.constant 0 : i32
          %cond3A_86 = arith.cmpi ne, %convert_element_type3A_84, %cond3A_85 : i32
          scf.if %cond3A_86 {
            %sub3A = arith.constant 1 : i32
            %sub3A_113 = arith.subi %scan3A_55, %sub3A : i32
            %dma_wait3A_114 = arith.constant 0 : i32
            %dma_wait3A_115 = tpu.memref_slice %arg11[%sub3A_113, %dma_wait3A_114] : memref<125x80xi32, #tpu.memory_space<vmem>> -> memref<1x80xi32, #tpu.memory_space<vmem>>
            %dma_wait3A_116 = tpu.memref_squeeze %dma_wait3A_115 : memref<1x80xi32, #tpu.memory_space<vmem>> -> memref<80xi32, #tpu.memory_space<vmem>>
            %dma_wait3A_117 = arith.constant 0 : i32
            %dma_wait3A_118 = arith.constant 0 : i32
            %dma_wait3A_119 = tpu.memref_slice %arg14[%dma_wait3A_117, %dma_wait3A_118] : memref<10000x128xf32, #tpu.memory_space<vmem_shared>> -> memref<10000x128xf32, #tpu.memory_space<vmem_shared>>
            tpu.wait_indirect_dma semaphore(%arg20 : memref<!tpu.dma_semaphore, #tpu.memory_space<semaphore_mem>>) src(%arg13 : memref<80x128xf32, #tpu.memory_space<vmem>>) dst(%dma_wait3A_119 : memref<10000x128xf32, #tpu.memory_space<vmem_shared>>)
          } else {
          }
          %add3A_87 = arith.constant 1 : i32
          %add3A_88 = arith.addi %scan3A_55, %add3A_87 : i32
          %mul3A_89 = arith.constant 80 : i32
          %mul3A_90 = arith.muli %add3A_88, %mul3A_89 : i32
          %add3A_91 = arith.constant 0 : i32
          %add3A_92 = arith.addi %mul3A_90, %add3A_91 : i32
          %multiple_of3A_93 = tpu.assume_multiple %add3A_92, 40 : i32
          %dma_start3A_94 = arith.constant 0 : i32
          %dma_start3A_95 = arith.constant 0 : i32
          %dma_start3A_96 = tpu.memref_slice %arg13[%dma_start3A_94, %dma_start3A_95] : memref<80x128xf32, #tpu.memory_space<vmem>> -> memref<40x128xf32, #tpu.memory_space<vmem>>
          %dma_start3A_97 = tpu.memref_slice %arg10[%multiple_of3A_93] : memref<10000xi32, #tpu.memory_space<vmem>> -> memref<40xi32, #tpu.memory_space<vmem>>
          %dma_start3A_98 = arith.constant 0 : i32
          %dma_start3A_99 = arith.constant 0 : i32
          %dma_start3A_100 = tpu.memref_slice %arg2[%dma_start3A_98, %dma_start3A_99] : memref<10000x128xf32, #tpu.memory_space<hbm>> -> memref<10000x128xf32, #tpu.memory_space<hbm>>
          tpu.enqueue_indirect_dma source(%dma_start3A_100 : memref<10000x128xf32, #tpu.memory_space<hbm>>) target(%dma_start3A_96 : memref<40x128xf32, #tpu.memory_space<vmem>>) offsets(%dma_start3A_97 : memref<40xi32, #tpu.memory_space<vmem>>) semaphore(%arg17 : memref<!tpu.dma_semaphore, #tpu.memory_space<semaphore_mem>>)
          %mul3A_101 = arith.constant 80 : i32
          %mul3A_102 = arith.muli %add3A_88, %mul3A_101 : i32
          %add3A_103 = arith.constant 40 : i32
          %add3A_104 = arith.addi %mul3A_102, %add3A_103 : i32
          %multiple_of3A_105 = tpu.assume_multiple %add3A_104, 40 : i32
          %dma_start3A_106 = arith.constant 40 : i32
          %dma_start3A_107 = arith.constant 0 : i32
          %dma_start3A_108 = tpu.memref_slice %arg13[%dma_start3A_106, %dma_start3A_107] : memref<80x128xf32, #tpu.memory_space<vmem>> -> memref<40x128xf32, #tpu.memory_space<vmem>>
          %dma_start3A_109 = tpu.memref_slice %arg10[%multiple_of3A_105] : memref<10000xi32, #tpu.memory_space<vmem>> -> memref<40xi32, #tpu.memory_space<vmem>>
          %dma_start3A_110 = arith.constant 0 : i32
          %dma_start3A_111 = arith.constant 0 : i32
          %dma_start3A_112 = tpu.memref_slice %arg2[%dma_start3A_110, %dma_start3A_111] : memref<10000x128xf32, #tpu.memory_space<hbm>> -> memref<10000x128xf32, #tpu.memory_space<hbm>>
          tpu.enqueue_indirect_dma source(%dma_start3A_112 : memref<10000x128xf32, #tpu.memory_space<hbm>>) target(%dma_start3A_108 : memref<40x128xf32, #tpu.memory_space<vmem>>) offsets(%dma_start3A_109 : memref<40xi32, #tpu.memory_space<vmem>>) semaphore(%arg18 : memref<!tpu.dma_semaphore, #tpu.memory_space<semaphore_mem>>)
        } else {
        }
        %not3A_78 = arith.constant true
        %not3A_79 = arith.xori %eq3A_59, %not3A_78 : i1
        %convert_element_type3A_80 = arith.extui %not3A_79 : i1 to i32
        %cond3A_81 = arith.constant 0 : i32
        %cond3A_82 = arith.cmpi ne, %convert_element_type3A_80, %cond3A_81 : i32
        scf.if %cond3A_82 {
          %sub3A = arith.constant 1 : i32
          %sub3A_83 = arith.subi %scan3A_55, %sub3A : i32
          %dma_wait3A_84 = arith.constant 0 : i32
          %dma_wait3A_85 = tpu.memref_slice %arg11[%sub3A_83, %dma_wait3A_84] : memref<125x80xi32, #tpu.memory_space<vmem>> -> memref<1x80xi32, #tpu.memory_space<vmem>>
          %dma_wait3A_86 = tpu.memref_squeeze %dma_wait3A_85 : memref<1x80xi32, #tpu.memory_space<vmem>> -> memref<80xi32, #tpu.memory_space<vmem>>
          %dma_wait3A_87 = arith.constant 0 : i32
          %dma_wait3A_88 = arith.constant 0 : i32
          %dma_wait3A_89 = tpu.memref_slice %arg14[%dma_wait3A_87, %dma_wait3A_88] : memref<10000x128xf32, #tpu.memory_space<vmem_shared>> -> memref<10000x128xf32, #tpu.memory_space<vmem_shared>>
          tpu.wait_indirect_dma semaphore(%arg19 : memref<!tpu.dma_semaphore, #tpu.memory_space<semaphore_mem>>) src(%arg12 : memref<80x128xf32, #tpu.memory_space<vmem>>) dst(%dma_wait3A_89 : memref<10000x128xf32, #tpu.memory_space<vmem_shared>>)
          %add3A_90 = arith.constant 1 : i32
          %add3A_91 = arith.addi %scan3A_55, %add3A_90 : i32
          %mul3A_92 = arith.constant 80 : i32
          %mul3A_93 = arith.muli %add3A_91, %mul3A_92 : i32
          %add3A_94 = arith.constant 0 : i32
          %add3A_95 = arith.addi %mul3A_93, %add3A_94 : i32
          %multiple_of3A_96 = tpu.assume_multiple %add3A_95, 40 : i32
          %dma_start3A_97 = arith.constant 0 : i32
          %dma_start3A_98 = arith.constant 0 : i32
          %dma_start3A_99 = tpu.memref_slice %arg12[%dma_start3A_97, %dma_start3A_98] : memref<80x128xf32, #tpu.memory_space<vmem>> -> memref<40x128xf32, #tpu.memory_space<vmem>>
          %dma_start3A_100 = tpu.memref_slice %arg10[%multiple_of3A_96] : memref<10000xi32, #tpu.memory_space<vmem>> -> memref<40xi32, #tpu.memory_space<vmem>>
          %dma_start3A_101 = arith.constant 0 : i32
          %dma_start3A_102 = arith.constant 0 : i32
          %dma_start3A_103 = tpu.memref_slice %arg2[%dma_start3A_101, %dma_start3A_102] : memref<10000x128xf32, #tpu.memory_space<hbm>> -> memref<10000x128xf32, #tpu.memory_space<hbm>>
          tpu.enqueue_indirect_dma source(%dma_start3A_103 : memref<10000x128xf32, #tpu.memory_space<hbm>>) target(%dma_start3A_99 : memref<40x128xf32, #tpu.memory_space<vmem>>) offsets(%dma_start3A_100 : memref<40xi32, #tpu.memory_space<vmem>>) semaphore(%arg15 : memref<!tpu.dma_semaphore, #tpu.memory_space<semaphore_mem>>)
          %mul3A_104 = arith.constant 80 : i32
          %mul3A_105 = arith.muli %add3A_91, %mul3A_104 : i32
          %add3A_106 = arith.constant 40 : i32
          %add3A_107 = arith.addi %mul3A_105, %add3A_106 : i32
          %multiple_of3A_108 = tpu.assume_multiple %add3A_107, 40 : i32
          %dma_start3A_109 = arith.constant 40 : i32
          %dma_start3A_110 = arith.constant 0 : i32
          %dma_start3A_111 = tpu.memref_slice %arg12[%dma_start3A_109, %dma_start3A_110] : memref<80x128xf32, #tpu.memory_space<vmem>> -> memref<40x128xf32, #tpu.memory_space<vmem>>
          %dma_start3A_112 = tpu.memref_slice %arg10[%multiple_of3A_108] : memref<10000xi32, #tpu.memory_space<vmem>> -> memref<40xi32, #tpu.memory_space<vmem>>
          %dma_start3A_113 = arith.constant 0 : i32
          %dma_start3A_114 = arith.constant 0 : i32
          %dma_start3A_115 = tpu.memref_slice %arg2[%dma_start3A_113, %dma_start3A_114] : memref<10000x128xf32, #tpu.memory_space<hbm>> -> memref<10000x128xf32, #tpu.memory_space<hbm>>
          tpu.enqueue_indirect_dma source(%dma_start3A_115 : memref<10000x128xf32, #tpu.memory_space<hbm>>) target(%dma_start3A_111 : memref<40x128xf32, #tpu.memory_space<vmem>>) offsets(%dma_start3A_112 : memref<40xi32, #tpu.memory_space<vmem>>) semaphore(%arg16 : memref<!tpu.dma_semaphore, #tpu.memory_space<semaphore_mem>>)
        } else {
        }
      } else {
      }
      %convert_element_type3A_67 = arith.extui %eq3A_59 : i1 to i32
      %cond3A_68 = arith.constant 0 : i32
      %cond3A_69 = arith.cmpi ne, %convert_element_type3A_67, %cond3A_68 : i32
      scf.if %cond3A_69 {
        %mul3A_75 = arith.constant 80 : i32
        %mul3A_76 = arith.muli %scan3A_55, %mul3A_75 : i32
        %add3A_77 = arith.constant 0 : i32
        %add3A_78 = arith.addi %mul3A_76, %add3A_77 : i32
        %multiple_of3A_79 = tpu.assume_multiple %add3A_78, 40 : i32
        %dma_wait3A_80 = arith.constant 0 : i32
        %dma_wait3A_81 = arith.constant 0 : i32
        %dma_wait3A_82 = tpu.memref_slice %arg12[%dma_wait3A_80, %dma_wait3A_81] : memref<80x128xf32, #tpu.memory_space<vmem>> -> memref<40x128xf32, #tpu.memory_space<vmem>>
        %dma_wait3A_83 = tpu.memref_slice %arg10[%multiple_of3A_79] : memref<10000xi32, #tpu.memory_space<vmem>> -> memref<40xi32, #tpu.memory_space<vmem>>
        %dma_wait3A_84 = arith.constant 0 : i32
        %dma_wait3A_85 = arith.constant 0 : i32
        %dma_wait3A_86 = tpu.memref_slice %arg2[%dma_wait3A_84, %dma_wait3A_85] : memref<10000x128xf32, #tpu.memory_space<hbm>> -> memref<10000x128xf32, #tpu.memory_space<hbm>>
        tpu.wait_indirect_dma semaphore(%arg15 : memref<!tpu.dma_semaphore, #tpu.memory_space<semaphore_mem>>) src(%dma_wait3A_86 : memref<10000x128xf32, #tpu.memory_space<hbm>>) dst(%dma_wait3A_82 : memref<40x128xf32, #tpu.memory_space<vmem>>)
        %mul3A_87 = arith.constant 80 : i32
        %mul3A_88 = arith.muli %scan3A_55, %mul3A_87 : i32
        %add3A_89 = arith.constant 40 : i32
        %add3A_90 = arith.addi %mul3A_88, %add3A_89 : i32
        %multiple_of3A_91 = tpu.assume_multiple %add3A_90, 40 : i32
        %dma_wait3A_92 = arith.constant 40 : i32
        %dma_wait3A_93 = arith.constant 0 : i32
        %dma_wait3A_94 = tpu.memref_slice %arg12[%dma_wait3A_92, %dma_wait3A_93] : memref<80x128xf32, #tpu.memory_space<vmem>> -> memref<40x128xf32, #tpu.memory_space<vmem>>
        %dma_wait3A_95 = tpu.memref_slice %arg10[%multiple_of3A_91] : memref<10000xi32, #tpu.memory_space<vmem>> -> memref<40xi32, #tpu.memory_space<vmem>>
        %dma_wait3A_96 = arith.constant 0 : i32
        %dma_wait3A_97 = arith.constant 0 : i32
        %dma_wait3A_98 = tpu.memref_slice %arg2[%dma_wait3A_96, %dma_wait3A_97] : memref<10000x128xf32, #tpu.memory_space<hbm>> -> memref<10000x128xf32, #tpu.memory_space<hbm>>
        tpu.wait_indirect_dma semaphore(%arg16 : memref<!tpu.dma_semaphore, #tpu.memory_space<semaphore_mem>>) src(%dma_wait3A_98 : memref<10000x128xf32, #tpu.memory_space<hbm>>) dst(%dma_wait3A_94 : memref<40x128xf32, #tpu.memory_space<vmem>>)
        %dma_start3A_99 = arith.constant 0 : i32
        %dma_start3A_100 = tpu.memref_slice %arg11[%scan3A_55, %dma_start3A_99] : memref<125x80xi32, #tpu.memory_space<vmem>> -> memref<1x80xi32, #tpu.memory_space<vmem>>
        %dma_start3A_101 = tpu.memref_squeeze %dma_start3A_100 : memref<1x80xi32, #tpu.memory_space<vmem>> -> memref<80xi32, #tpu.memory_space<vmem>>
        %dma_start3A_102 = arith.constant 0 : i32
        %dma_start3A_103 = arith.constant 0 : i32
        %dma_start3A_104 = tpu.memref_slice %arg14[%dma_start3A_102, %dma_start3A_103] : memref<10000x128xf32, #tpu.memory_space<vmem_shared>> -> memref<10000x128xf32, #tpu.memory_space<vmem_shared>>
        tpu.enqueue_indirect_dma source(%arg12 : memref<80x128xf32, #tpu.memory_space<vmem>>) target(%dma_start3A_104 : memref<10000x128xf32, #tpu.memory_space<vmem_shared>>) offsets(%dma_start3A_101 : memref<80xi32, #tpu.memory_space<vmem>>) semaphore(%arg19 : memref<!tpu.dma_semaphore, #tpu.memory_space<semaphore_mem>>) {add = true}
      } else {
      }
      %not3A = arith.constant true
      %not3A_70 = arith.xori %eq3A_59, %not3A : i1
      %convert_element_type3A_71 = arith.extui %not3A_70 : i1 to i32
      %cond3A_72 = arith.constant 0 : i32
      %cond3A_73 = arith.cmpi ne, %convert_element_type3A_71, %cond3A_72 : i32
      scf.if %cond3A_73 {
        %mul3A_75 = arith.constant 80 : i32
        %mul3A_76 = arith.muli %scan3A_55, %mul3A_75 : i32
        %add3A_77 = arith.constant 0 : i32
        %add3A_78 = arith.addi %mul3A_76, %add3A_77 : i32
        %multiple_of3A_79 = tpu.assume_multiple %add3A_78, 40 : i32
        %dma_wait3A_80 = arith.constant 0 : i32
        %dma_wait3A_81 = arith.constant 0 : i32
        %dma_wait3A_82 = tpu.memref_slice %arg13[%dma_wait3A_80, %dma_wait3A_81] : memref<80x128xf32, #tpu.memory_space<vmem>> -> memref<40x128xf32, #tpu.memory_space<vmem>>
        %dma_wait3A_83 = tpu.memref_slice %arg10[%multiple_of3A_79] : memref<10000xi32, #tpu.memory_space<vmem>> -> memref<40xi32, #tpu.memory_space<vmem>>
        %dma_wait3A_84 = arith.constant 0 : i32
        %dma_wait3A_85 = arith.constant 0 : i32
        %dma_wait3A_86 = tpu.memref_slice %arg2[%dma_wait3A_84, %dma_wait3A_85] : memref<10000x128xf32, #tpu.memory_space<hbm>> -> memref<10000x128xf32, #tpu.memory_space<hbm>>
        tpu.wait_indirect_dma semaphore(%arg17 : memref<!tpu.dma_semaphore, #tpu.memory_space<semaphore_mem>>) src(%dma_wait3A_86 : memref<10000x128xf32, #tpu.memory_space<hbm>>) dst(%dma_wait3A_82 : memref<40x128xf32, #tpu.memory_space<vmem>>)
        %mul3A_87 = arith.constant 80 : i32
        %mul3A_88 = arith.muli %scan3A_55, %mul3A_87 : i32
        %add3A_89 = arith.constant 40 : i32
        %add3A_90 = arith.addi %mul3A_88, %add3A_89 : i32
        %multiple_of3A_91 = tpu.assume_multiple %add3A_90, 40 : i32
        %dma_wait3A_92 = arith.constant 40 : i32
        %dma_wait3A_93 = arith.constant 0 : i32
        %dma_wait3A_94 = tpu.memref_slice %arg13[%dma_wait3A_92, %dma_wait3A_93] : memref<80x128xf32, #tpu.memory_space<vmem>> -> memref<40x128xf32, #tpu.memory_space<vmem>>
        %dma_wait3A_95 = tpu.memref_slice %arg10[%multiple_of3A_91] : memref<10000xi32, #tpu.memory_space<vmem>> -> memref<40xi32, #tpu.memory_space<vmem>>
        %dma_wait3A_96 = arith.constant 0 : i32
        %dma_wait3A_97 = arith.constant 0 : i32
        %dma_wait3A_98 = tpu.memref_slice %arg2[%dma_wait3A_96, %dma_wait3A_97] : memref<10000x128xf32, #tpu.memory_space<hbm>> -> memref<10000x128xf32, #tpu.memory_space<hbm>>
        tpu.wait_indirect_dma semaphore(%arg18 : memref<!tpu.dma_semaphore, #tpu.memory_space<semaphore_mem>>) src(%dma_wait3A_98 : memref<10000x128xf32, #tpu.memory_space<hbm>>) dst(%dma_wait3A_94 : memref<40x128xf32, #tpu.memory_space<vmem>>)
        %dma_start3A_99 = arith.constant 0 : i32
        %dma_start3A_100 = tpu.memref_slice %arg11[%scan3A_55, %dma_start3A_99] : memref<125x80xi32, #tpu.memory_space<vmem>> -> memref<1x80xi32, #tpu.memory_space<vmem>>
        %dma_start3A_101 = tpu.memref_squeeze %dma_start3A_100 : memref<1x80xi32, #tpu.memory_space<vmem>> -> memref<80xi32, #tpu.memory_space<vmem>>
        %dma_start3A_102 = arith.constant 0 : i32
        %dma_start3A_103 = arith.constant 0 : i32
        %dma_start3A_104 = tpu.memref_slice %arg14[%dma_start3A_102, %dma_start3A_103] : memref<10000x128xf32, #tpu.memory_space<vmem_shared>> -> memref<10000x128xf32, #tpu.memory_space<vmem_shared>>
        tpu.enqueue_indirect_dma source(%arg13 : memref<80x128xf32, #tpu.memory_space<vmem>>) target(%dma_start3A_104 : memref<10000x128xf32, #tpu.memory_space<vmem_shared>>) offsets(%dma_start3A_101 : memref<80xi32, #tpu.memory_space<vmem>>) semaphore(%arg20 : memref<!tpu.dma_semaphore, #tpu.memory_space<semaphore_mem>>) {add = true}
      } else {
      }
      %scan3A_74 = arith.constant 0 : i32
      scf.yield %scan3A_74 : i32
    }
    %scan3A_30 = arith.constant 125 : i32
    %dma_wait3A = arith.constant 123 : i32
    %dma_wait3A_31 = arith.constant 0 : i32
    %dma_wait3A_32 = tpu.memref_slice %arg11[%dma_wait3A, %dma_wait3A_31] : memref<125x80xi32, #tpu.memory_space<vmem>> -> memref<1x80xi32, #tpu.memory_space<vmem>>
    %dma_wait3A_33 = tpu.memref_squeeze %dma_wait3A_32 : memref<1x80xi32, #tpu.memory_space<vmem>> -> memref<80xi32, #tpu.memory_space<vmem>>
    %dma_wait3A_34 = arith.constant 0 : i32
    %dma_wait3A_35 = arith.constant 0 : i32
    %dma_wait3A_36 = tpu.memref_slice %arg14[%dma_wait3A_34, %dma_wait3A_35] : memref<10000x128xf32, #tpu.memory_space<vmem_shared>> -> memref<10000x128xf32, #tpu.memory_space<vmem_shared>>
    tpu.wait_indirect_dma semaphore(%arg20 : memref<!tpu.dma_semaphore, #tpu.memory_space<semaphore_mem>>) src(%arg13 : memref<80x128xf32, #tpu.memory_space<vmem>>) dst(%dma_wait3A_36 : memref<10000x128xf32, #tpu.memory_space<vmem_shared>>)
    %dma_wait3A_37 = arith.constant 124 : i32
    %dma_wait3A_38 = arith.constant 0 : i32
    %dma_wait3A_39 = tpu.memref_slice %arg11[%dma_wait3A_37, %dma_wait3A_38] : memref<125x80xi32, #tpu.memory_space<vmem>> -> memref<1x80xi32, #tpu.memory_space<vmem>>
    %dma_wait3A_40 = tpu.memref_squeeze %dma_wait3A_39 : memref<1x80xi32, #tpu.memory_space<vmem>> -> memref<80xi32, #tpu.memory_space<vmem>>
    %dma_wait3A_41 = arith.constant 0 : i32
    %dma_wait3A_42 = arith.constant 0 : i32
    %dma_wait3A_43 = tpu.memref_slice %arg14[%dma_wait3A_41, %dma_wait3A_42] : memref<10000x128xf32, #tpu.memory_space<vmem_shared>> -> memref<10000x128xf32, #tpu.memory_space<vmem_shared>>
    tpu.wait_indirect_dma semaphore(%arg19 : memref<!tpu.dma_semaphore, #tpu.memory_space<semaphore_mem>>) src(%arg12 : memref<80x128xf32, #tpu.memory_space<vmem>>) dst(%dma_wait3A_43 : memref<10000x128xf32, #tpu.memory_space<vmem_shared>>)
    %barrier3A_44 = arith.constant 0 : index
    tpu.barrier barrier_id(%barrier3A_44)
    %eq3A_45 = arith.constant 0 : i32
    %eq3A_46 = arith.cmpi eq, %arg0, %eq3A_45 : i32
    %convert_element_type3A_47 = arith.extui %eq3A_46 : i1 to i32
    %cond3A_48 = arith.constant 0 : i32
    %cond3A_49 = arith.cmpi ne, %convert_element_type3A_47, %cond3A_48 : i32
    scf.if %cond3A_49 {
      %lt3A_55 = arith.constant 15 : i32
      %lt3A_56 = arith.cmpi slt, %arg1, %lt3A_55 : i32
      %convert_element_type3A_57 = arith.extui %lt3A_56 : i1 to i32
      %cond3A_58 = arith.constant 0 : i32
      %cond3A_59 = arith.cmpi ne, %convert_element_type3A_57, %cond3A_58 : i32
      scf.if %cond3A_59 {
        %mul3A_65 = arith.constant 624 : i32
        %mul3A_66 = arith.muli %arg1, %mul3A_65 : i32
        %mul3A_67 = arith.constant 624 : i32
        %mul3A_68 = arith.muli %arg1, %mul3A_67 : i32
        "tpu.region"() ({
          %run_scoped3A = tpu.sem_alloc : memref<!tpu.dma_semaphore, #tpu.memory_space<semaphore_mem>>
          %dma_start3A_69 = arith.constant 0 : i32
          %dma_start3A_70 = tpu.memref_slice %arg8[%mul3A_68, %dma_start3A_69] : memref<10000x128xf32, #tpu.memory_space<hbm>> -> memref<624x128xf32, #tpu.memory_space<hbm>>
          %dma_start3A_71 = arith.constant 0 : i32
          %dma_start3A_72 = tpu.memref_slice %arg14[%mul3A_66, %dma_start3A_71] : memref<10000x128xf32, #tpu.memory_space<vmem_shared>> -> memref<624x128xf32, #tpu.memory_space<vmem_shared>>
          tpu.enqueue_dma source(%dma_start3A_72 : memref<624x128xf32, #tpu.memory_space<vmem_shared>>) target(%dma_start3A_70 : memref<624x128xf32, #tpu.memory_space<hbm>>) target_semaphore(%run_scoped3A : memref<!tpu.dma_semaphore, #tpu.memory_space<semaphore_mem>>)
          %dma_wait3A_73 = arith.constant 0 : i32
          %dma_wait3A_74 = tpu.memref_slice %arg8[%mul3A_68, %dma_wait3A_73] : memref<10000x128xf32, #tpu.memory_space<hbm>> -> memref<624x128xf32, #tpu.memory_space<hbm>>
          %dma_wait3A_75 = arith.constant 0 : i32
          %dma_wait3A_76 = tpu.memref_slice %arg14[%mul3A_66, %dma_wait3A_75] : memref<10000x128xf32, #tpu.memory_space<vmem_shared>> -> memref<624x128xf32, #tpu.memory_space<vmem_shared>>
          tpu.wait_dma2 semaphore(%run_scoped3A : memref<!tpu.dma_semaphore, #tpu.memory_space<semaphore_mem>>) src(%dma_wait3A_76 : memref<624x128xf32, #tpu.memory_space<vmem_shared>>) dst(%dma_wait3A_74 : memref<624x128xf32, #tpu.memory_space<hbm>>)
          tpu.yield
        }) : () -> ()
      } else {
      }
      %eq3A_60 = arith.constant 15 : i32
      %eq3A_61 = arith.cmpi eq, %arg1, %eq3A_60 : i32
      %convert_element_type3A_62 = arith.extui %eq3A_61 : i1 to i32
      %cond3A_63 = arith.constant 0 : i32
      %cond3A_64 = arith.cmpi ne, %convert_element_type3A_62, %cond3A_63 : i32
      scf.if %cond3A_64 {
        "tpu.region"() ({
          %run_scoped3A = tpu.sem_alloc : memref<!tpu.dma_semaphore, #tpu.memory_space<semaphore_mem>>
          %dma_start3A_65 = arith.constant 9360 : i32
          %dma_start3A_66 = arith.constant 0 : i32
          %dma_start3A_67 = tpu.memref_slice %arg8[%dma_start3A_65, %dma_start3A_66] : memref<10000x128xf32, #tpu.memory_space<hbm>> -> memref<640x128xf32, #tpu.memory_space<hbm>>
          %dma_start3A_68 = arith.constant 9360 : i32
          %dma_start3A_69 = arith.constant 0 : i32
          %dma_start3A_70 = tpu.memref_slice %arg14[%dma_start3A_68, %dma_start3A_69] : memref<10000x128xf32, #tpu.memory_space<vmem_shared>> -> memref<640x128xf32, #tpu.memory_space<vmem_shared>>
          tpu.enqueue_dma source(%dma_start3A_70 : memref<640x128xf32, #tpu.memory_space<vmem_shared>>) target(%dma_start3A_67 : memref<640x128xf32, #tpu.memory_space<hbm>>) target_semaphore(%run_scoped3A : memref<!tpu.dma_semaphore, #tpu.memory_space<semaphore_mem>>)
          %dma_wait3A_71 = arith.constant 9360 : i32
          %dma_wait3A_72 = arith.constant 0 : i32
          %dma_wait3A_73 = tpu.memref_slice %arg8[%dma_wait3A_71, %dma_wait3A_72] : memref<10000x128xf32, #tpu.memory_space<hbm>> -> memref<640x128xf32, #tpu.memory_space<hbm>>
          %dma_wait3A_74 = arith.constant 9360 : i32
          %dma_wait3A_75 = arith.constant 0 : i32
          %dma_wait3A_76 = tpu.memref_slice %arg14[%dma_wait3A_74, %dma_wait3A_75] : memref<10000x128xf32, #tpu.memory_space<vmem_shared>> -> memref<640x128xf32, #tpu.memory_space<vmem_shared>>
          tpu.wait_dma2 semaphore(%run_scoped3A : memref<!tpu.dma_semaphore, #tpu.memory_space<semaphore_mem>>) src(%dma_wait3A_76 : memref<640x128xf32, #tpu.memory_space<vmem_shared>>) dst(%dma_wait3A_73 : memref<640x128xf32, #tpu.memory_space<hbm>>)
          tpu.yield
        }) : () -> ()
      } else {
      }
    } else {
    }
    %eq3A_50 = arith.constant 1 : i32
    %eq3A_51 = arith.cmpi eq, %arg0, %eq3A_50 : i32
    %convert_element_type3A_52 = arith.extui %eq3A_51 : i1 to i32
    %cond3A_53 = arith.constant 0 : i32
    %cond3A_54 = arith.cmpi ne, %convert_element_type3A_52, %cond3A_53 : i32
    scf.if %cond3A_54 {
      %lt3A_55 = arith.constant 15 : i32
      %lt3A_56 = arith.cmpi slt, %arg1, %lt3A_55 : i32
      %convert_element_type3A_57 = arith.extui %lt3A_56 : i1 to i32
      %cond3A_58 = arith.constant 0 : i32
      %cond3A_59 = arith.cmpi ne, %convert_element_type3A_57, %cond3A_58 : i32
      scf.if %cond3A_59 {
        %mul3A_65 = arith.constant 624 : i32
        %mul3A_66 = arith.muli %arg1, %mul3A_65 : i32
        %mul3A_67 = arith.constant 624 : i32
        %mul3A_68 = arith.muli %arg1, %mul3A_67 : i32
        "tpu.region"() ({
          %run_scoped3A = tpu.sem_alloc : memref<!tpu.dma_semaphore, #tpu.memory_space<semaphore_mem>>
          %dma_start3A_69 = arith.constant 0 : i32
          %dma_start3A_70 = tpu.memref_slice %arg9[%mul3A_68, %dma_start3A_69] : memref<10000x128xf32, #tpu.memory_space<hbm>> -> memref<624x128xf32, #tpu.memory_space<hbm>>
          %dma_start3A_71 = arith.constant 0 : i32
          %dma_start3A_72 = tpu.memref_slice %arg14[%mul3A_66, %dma_start3A_71] : memref<10000x128xf32, #tpu.memory_space<vmem_shared>> -> memref<624x128xf32, #tpu.memory_space<vmem_shared>>
          tpu.enqueue_dma source(%dma_start3A_72 : memref<624x128xf32, #tpu.memory_space<vmem_shared>>) target(%dma_start3A_70 : memref<624x128xf32, #tpu.memory_space<hbm>>) target_semaphore(%run_scoped3A : memref<!tpu.dma_semaphore, #tpu.memory_space<semaphore_mem>>)
          %dma_wait3A_73 = arith.constant 0 : i32
          %dma_wait3A_74 = tpu.memref_slice %arg9[%mul3A_68, %dma_wait3A_73] : memref<10000x128xf32, #tpu.memory_space<hbm>> -> memref<624x128xf32, #tpu.memory_space<hbm>>
          %dma_wait3A_75 = arith.constant 0 : i32
          %dma_wait3A_76 = tpu.memref_slice %arg14[%mul3A_66, %dma_wait3A_75] : memref<10000x128xf32, #tpu.memory_space<vmem_shared>> -> memref<624x128xf32, #tpu.memory_space<vmem_shared>>
          tpu.wait_dma2 semaphore(%run_scoped3A : memref<!tpu.dma_semaphore, #tpu.memory_space<semaphore_mem>>) src(%dma_wait3A_76 : memref<624x128xf32, #tpu.memory_space<vmem_shared>>) dst(%dma_wait3A_74 : memref<624x128xf32, #tpu.memory_space<hbm>>)
          tpu.yield
        }) : () -> ()
      } else {
      }
      %eq3A_60 = arith.constant 15 : i32
      %eq3A_61 = arith.cmpi eq, %arg1, %eq3A_60 : i32
      %convert_element_type3A_62 = arith.extui %eq3A_61 : i1 to i32
      %cond3A_63 = arith.constant 0 : i32
      %cond3A_64 = arith.cmpi ne, %convert_element_type3A_62, %cond3A_63 : i32
      scf.if %cond3A_64 {
        "tpu.region"() ({
          %run_scoped3A = tpu.sem_alloc : memref<!tpu.dma_semaphore, #tpu.memory_space<semaphore_mem>>
          %dma_start3A_65 = arith.constant 9360 : i32
          %dma_start3A_66 = arith.constant 0 : i32
          %dma_start3A_67 = tpu.memref_slice %arg9[%dma_start3A_65, %dma_start3A_66] : memref<10000x128xf32, #tpu.memory_space<hbm>> -> memref<640x128xf32, #tpu.memory_space<hbm>>
          %dma_start3A_68 = arith.constant 9360 : i32
          %dma_start3A_69 = arith.constant 0 : i32
          %dma_start3A_70 = tpu.memref_slice %arg14[%dma_start3A_68, %dma_start3A_69] : memref<10000x128xf32, #tpu.memory_space<vmem_shared>> -> memref<640x128xf32, #tpu.memory_space<vmem_shared>>
          tpu.enqueue_dma source(%dma_start3A_70 : memref<640x128xf32, #tpu.memory_space<vmem_shared>>) target(%dma_start3A_67 : memref<640x128xf32, #tpu.memory_space<hbm>>) target_semaphore(%run_scoped3A : memref<!tpu.dma_semaphore, #tpu.memory_space<semaphore_mem>>)
          %dma_wait3A_71 = arith.constant 9360 : i32
          %dma_wait3A_72 = arith.constant 0 : i32
          %dma_wait3A_73 = tpu.memref_slice %arg9[%dma_wait3A_71, %dma_wait3A_72] : memref<10000x128xf32, #tpu.memory_space<hbm>> -> memref<640x128xf32, #tpu.memory_space<hbm>>
          %dma_wait3A_74 = arith.constant 9360 : i32
          %dma_wait3A_75 = arith.constant 0 : i32
          %dma_wait3A_76 = tpu.memref_slice %arg14[%dma_wait3A_74, %dma_wait3A_75] : memref<10000x128xf32, #tpu.memory_space<vmem_shared>> -> memref<640x128xf32, #tpu.memory_space<vmem_shared>>
          tpu.wait_dma2 semaphore(%run_scoped3A : memref<!tpu.dma_semaphore, #tpu.memory_space<semaphore_mem>>) src(%dma_wait3A_76 : memref<640x128xf32, #tpu.memory_space<vmem_shared>>) dst(%dma_wait3A_73 : memref<640x128xf32, #tpu.memory_space<hbm>>)
          tpu.yield
        }) : () -> ()
      } else {
      }
    } else {
    }
    return
  }
}

module attributes {stable_mosaic.version = 14 : i64} {
  func.func @body(%arg0: i32, %arg1: memref<5000x128xf32, #tpu.memory_space<vmem>>, %arg2: memref<5000x128xf32, #tpu.memory_space<vmem>>, %arg3: memref<5000x1xf32, #tpu.memory_space<vmem>>, %arg4: memref<5000x128xf32, #tpu.memory_space<vmem>>, %arg5: memref<128x128xf32, #tpu.memory_space<vmem>>, %arg6: memref<128x128xf32, #tpu.memory_space<vmem>>, %arg7: memref<1x128xf32, #tpu.memory_space<vmem>>, %arg8: memref<5000x128xf32, #tpu.memory_space<vmem>>) attributes {dimension_semantics = [#tpu.dimension_semantics<arbitrary>], iteration_bounds = array<i64: 2>, scalar_prefetch = 0 : i64, scratch_operands = 0 : i64, tpu.core_type = #tpu.core_type<tc>, window_params = [{transform_indices = @transform_0, window_bounds = array<i64: 5000, 128>}, {transform_indices = @transform_1, window_bounds = array<i64: 5000, 128>}, {transform_indices = @transform_2, window_bounds = array<i64: 5000, 1>}, {transform_indices = @transform_3, window_bounds = array<i64: 5000, 128>}, {pipeline_mode = #tpu.pipeline_mode<synchronous>, transform_indices = @transform_4, window_bounds = array<i64: 128, 128>}, {pipeline_mode = #tpu.pipeline_mode<synchronous>, transform_indices = @transform_5, window_bounds = array<i64: 128, 128>}, {pipeline_mode = #tpu.pipeline_mode<synchronous>, transform_indices = @transform_6, window_bounds = array<i64: 1, 128>}, {transform_indices = @transform_7, window_bounds = array<i64: 5000, 128>}]} {
    %get3A = arith.constant 0 : index
    %get3A_0 = arith.constant 0 : index
    %get3A_1 = vector.load %arg3[%get3A, %get3A_0] : memref<5000x1xf32, #tpu.memory_space<vmem>>, vector<5000x1xf32>
    %max3A = arith.constant 1.000000e+00 : f32
    %max3A_2 = vector.broadcast %max3A : f32 to vector<5000x1xf32>
    %max3A_3 = arith.maximumf %get3A_1, %max3A_2 : vector<5000x1xf32>
    %get3A_4 = arith.constant 0 : index
    %get3A_5 = arith.constant 0 : index
    %get3A_6 = vector.load %arg1[%get3A_4, %get3A_5] : memref<5000x128xf32, #tpu.memory_space<vmem>>, vector<5000x128xf32>
    %get3A_7 = arith.constant 0 : index
    %get3A_8 = arith.constant 0 : index
    %get3A_9 = vector.load %arg2[%get3A_7, %get3A_8] : memref<5000x128xf32, #tpu.memory_space<vmem>>, vector<5000x128xf32>
    %add3A = arith.addf %get3A_6, %get3A_9 : vector<5000x128xf32>
    %div3A = vector.broadcast %max3A_3 : vector<5000x1xf32> to vector<5000x128xf32>
    %div3A_10 = arith.divf %add3A, %div3A : vector<5000x128xf32>
    %get3A_11 = arith.constant 0 : index
    %get3A_12 = arith.constant 0 : index
    %get3A_13 = vector.load %arg5[%get3A_11, %get3A_12] : memref<128x128xf32, #tpu.memory_space<vmem>>, vector<128x128xf32>
    %dot_general3A = arith.constant dense<0.000000e+00> : vector<5000x128xf32>
    %dot_general3A_14 = tpu.matmul %div3A_10, %get3A_13, %dot_general3A {dimension_numbers = #tpu.dot_dimension_numbers<[1], [0], [0], [1], [0, 0, 1, 1], [], []>, transpose_lhs_hint = false} : vector<5000x128xf32>, vector<128x128xf32>, vector<5000x128xf32> -> vector<5000x128xf32>
    %get3A_15 = arith.constant 0 : index
    %get3A_16 = arith.constant 0 : index
    %get3A_17 = vector.load %arg4[%get3A_15, %get3A_16] : memref<5000x128xf32, #tpu.memory_space<vmem>>, vector<5000x128xf32>
    %get3A_18 = arith.constant 0 : index
    %get3A_19 = arith.constant 0 : index
    %get3A_20 = vector.load %arg6[%get3A_18, %get3A_19] : memref<128x128xf32, #tpu.memory_space<vmem>>, vector<128x128xf32>
    %dot_general3A_21 = arith.constant dense<0.000000e+00> : vector<5000x128xf32>
    %dot_general3A_22 = tpu.matmul %get3A_17, %get3A_20, %dot_general3A_21 {dimension_numbers = #tpu.dot_dimension_numbers<[1], [0], [0], [1], [0, 0, 1, 1], [], []>, transpose_lhs_hint = false} : vector<5000x128xf32>, vector<128x128xf32>, vector<5000x128xf32> -> vector<5000x128xf32>
    %add3A_23 = arith.addf %dot_general3A_14, %dot_general3A_22 : vector<5000x128xf32>
    %get3A_24 = arith.constant 0 : index
    %get3A_25 = arith.constant 0 : index
    %get3A_26 = vector.load %arg7[%get3A_24, %get3A_25] : memref<1x128xf32, #tpu.memory_space<vmem>>, vector<1x128xf32>
    %add3A_27 = vector.broadcast %get3A_26 : vector<1x128xf32> to vector<5000x128xf32>
    %add3A_28 = arith.addf %add3A_23, %add3A_27 : vector<5000x128xf32>
    %gt3A = arith.constant 0.000000e+00 : f32
    %gt3A_29 = vector.broadcast %gt3A : f32 to vector<5000x128xf32>
    %gt3A_30 = arith.cmpf ogt, %add3A_28, %gt3A_29 : vector<5000x128xf32>
    %min3A = arith.constant 0.000000e+00 : f32
    %min3A_31 = vector.broadcast %min3A : f32 to vector<5000x128xf32>
    %min3A_32 = arith.minimumf %add3A_28, %min3A_31 : vector<5000x128xf32>
    %exp3A = math.exp %min3A_32 : vector<5000x128xf32>
    %sub3A = arith.constant 1.000000e+00 : f32
    %sub3A_33 = vector.broadcast %sub3A : f32 to vector<5000x128xf32>
    %sub3A_34 = arith.subf %exp3A, %sub3A_33 : vector<5000x128xf32>
    %select_n3A = arith.select %gt3A_30, %add3A_28, %sub3A_34 : vector<5000x128xi1>, vector<5000x128xf32>
    %swap3A = arith.constant 0 : index
    %swap3A_35 = arith.constant 0 : index
    %swap3A_36 = vector.load %arg8[%swap3A, %swap3A_35] : memref<5000x128xf32, #tpu.memory_space<vmem>>, vector<5000x128xf32>
    tpu.vector_store %arg8[%swap3A, %swap3A_35], %select_n3A {strides = array<i32>} : memref<5000x128xf32, #tpu.memory_space<vmem>>, vector<5000x128xf32>,
    return
  }
  func.func @transform_0(%arg0: i32) -> (i32, i32) {
    %c0_i32 = arith.constant 0 : i32
    %c0_i32_0 = arith.constant 0 : i32
    return %arg0, %c0_i32 : i32, i32
  }
  func.func @transform_1(%arg0: i32) -> (i32, i32) {
    %c0_i32 = arith.constant 0 : i32
    %c0_i32_0 = arith.constant 0 : i32
    return %arg0, %c0_i32 : i32, i32
  }
  func.func @transform_2(%arg0: i32) -> (i32, i32) {
    %c0_i32 = arith.constant 0 : i32
    %c0_i32_0 = arith.constant 0 : i32
    return %arg0, %c0_i32 : i32, i32
  }
  func.func @transform_3(%arg0: i32) -> (i32, i32) {
    %c0_i32 = arith.constant 0 : i32
    %c0_i32_0 = arith.constant 0 : i32
    return %arg0, %c0_i32 : i32, i32
  }
  func.func @transform_4(%arg0: i32) -> (i32, i32) {
    %c0_i32 = arith.constant 0 : i32
    %c0_i32_0 = arith.constant 0 : i32
    %c0_i32_1 = arith.constant 0 : i32
    return %c0_i32, %c0_i32_0 : i32, i32
  }
  func.func @transform_5(%arg0: i32) -> (i32, i32) {
    %c0_i32 = arith.constant 0 : i32
    %c0_i32_0 = arith.constant 0 : i32
    %c0_i32_1 = arith.constant 0 : i32
    return %c0_i32, %c0_i32_0 : i32, i32
  }
  func.func @transform_6(%arg0: i32) -> (i32, i32) {
    %c0_i32 = arith.constant 0 : i32
    %c0_i32_0 = arith.constant 0 : i32
    %c0_i32_1 = arith.constant 0 : i32
    return %c0_i32, %c0_i32_0 : i32, i32
  }
  func.func @transform_7(%arg0: i32) -> (i32, i32) {
    %c0_i32 = arith.constant 0 : i32
    %c0_i32_0 = arith.constant 0 : i32
    return %arg0, %c0_i32 : i32, i32
  }
}

module attributes {stable_mosaic.version = 14 : i64} {
  func.func @body(%arg0: i32, %arg1: memref<5000x128xf32, #tpu.memory_space<vmem>>, %arg2: memref<5000x128xf32, #tpu.memory_space<vmem>>, %arg3: memref<5000x1xf32, #tpu.memory_space<vmem>>, %arg4: memref<5000x128xf32, #tpu.memory_space<vmem>>, %arg5: memref<128x128xf32, #tpu.memory_space<vmem>>, %arg6: memref<128x128xf32, #tpu.memory_space<vmem>>, %arg7: memref<1x128xf32, #tpu.memory_space<vmem>>, %arg8: memref<5000x128xf32, #tpu.memory_space<vmem>>) attributes {dimension_semantics = [#tpu.dimension_semantics<arbitrary>], iteration_bounds = array<i64: 2>, scalar_prefetch = 0 : i64, scratch_operands = 0 : i64, tpu.core_type = #tpu.core_type<tc>, window_params = [{transform_indices = @transform_0, window_bounds = array<i64: 5000, 128>}, {transform_indices = @transform_1, window_bounds = array<i64: 5000, 128>}, {transform_indices = @transform_2, window_bounds = array<i64: 5000, 1>}, {transform_indices = @transform_3, window_bounds = array<i64: 5000, 128>}, {pipeline_mode = #tpu.pipeline_mode<synchronous>, transform_indices = @transform_4, window_bounds = array<i64: 128, 128>}, {pipeline_mode = #tpu.pipeline_mode<synchronous>, transform_indices = @transform_5, window_bounds = array<i64: 128, 128>}, {pipeline_mode = #tpu.pipeline_mode<synchronous>, transform_indices = @transform_6, window_bounds = array<i64: 1, 128>}, {transform_indices = @transform_7, window_bounds = array<i64: 5000, 128>}]} {
    %get3A = arith.constant 0 : index
    %get3A_0 = arith.constant 0 : index
    %get3A_1 = vector.load %arg3[%get3A, %get3A_0] : memref<5000x1xf32, #tpu.memory_space<vmem>>, vector<5000x1xf32>
    %max3A = arith.constant 1.000000e+00 : f32
    %max3A_2 = vector.broadcast %max3A : f32 to vector<5000x1xf32>
    %max3A_3 = arith.maximumf %get3A_1, %max3A_2 : vector<5000x1xf32>
    %get3A_4 = arith.constant 0 : index
    %get3A_5 = arith.constant 0 : index
    %get3A_6 = vector.load %arg1[%get3A_4, %get3A_5] : memref<5000x128xf32, #tpu.memory_space<vmem>>, vector<5000x128xf32>
    %get3A_7 = arith.constant 0 : index
    %get3A_8 = arith.constant 0 : index
    %get3A_9 = vector.load %arg2[%get3A_7, %get3A_8] : memref<5000x128xf32, #tpu.memory_space<vmem>>, vector<5000x128xf32>
    %add3A = arith.addf %get3A_6, %get3A_9 : vector<5000x128xf32>
    %div3A = vector.broadcast %max3A_3 : vector<5000x1xf32> to vector<5000x128xf32>
    %div3A_10 = arith.divf %add3A, %div3A : vector<5000x128xf32>
    %get3A_11 = arith.constant 0 : index
    %get3A_12 = arith.constant 0 : index
    %get3A_13 = vector.load %arg5[%get3A_11, %get3A_12] : memref<128x128xf32, #tpu.memory_space<vmem>>, vector<128x128xf32>
    %dot_general3A = arith.constant dense<0.000000e+00> : vector<5000x128xf32>
    %dot_general3A_14 = tpu.matmul %div3A_10, %get3A_13, %dot_general3A {dimension_numbers = #tpu.dot_dimension_numbers<[1], [0], [0], [1], [0, 0, 1, 1], [], []>, transpose_lhs_hint = false} : vector<5000x128xf32>, vector<128x128xf32>, vector<5000x128xf32> -> vector<5000x128xf32>
    %get3A_15 = arith.constant 0 : index
    %get3A_16 = arith.constant 0 : index
    %get3A_17 = vector.load %arg4[%get3A_15, %get3A_16] : memref<5000x128xf32, #tpu.memory_space<vmem>>, vector<5000x128xf32>
    %get3A_18 = arith.constant 0 : index
    %get3A_19 = arith.constant 0 : index
    %get3A_20 = vector.load %arg6[%get3A_18, %get3A_19] : memref<128x128xf32, #tpu.memory_space<vmem>>, vector<128x128xf32>
    %dot_general3A_21 = arith.constant dense<0.000000e+00> : vector<5000x128xf32>
    %dot_general3A_22 = tpu.matmul %get3A_17, %get3A_20, %dot_general3A_21 {dimension_numbers = #tpu.dot_dimension_numbers<[1], [0], [0], [1], [0, 0, 1, 1], [], []>, transpose_lhs_hint = false} : vector<5000x128xf32>, vector<128x128xf32>, vector<5000x128xf32> -> vector<5000x128xf32>
    %add3A_23 = arith.addf %dot_general3A_14, %dot_general3A_22 : vector<5000x128xf32>
    %get3A_24 = arith.constant 0 : index
    %get3A_25 = arith.constant 0 : index
    %get3A_26 = vector.load %arg7[%get3A_24, %get3A_25] : memref<1x128xf32, #tpu.memory_space<vmem>>, vector<1x128xf32>
    %add3A_27 = vector.broadcast %get3A_26 : vector<1x128xf32> to vector<5000x128xf32>
    %add3A_28 = arith.addf %add3A_23, %add3A_27 : vector<5000x128xf32>
    %swap3A = arith.constant 0 : index
    %swap3A_29 = arith.constant 0 : index
    %swap3A_30 = vector.load %arg8[%swap3A, %swap3A_29] : memref<5000x128xf32, #tpu.memory_space<vmem>>, vector<5000x128xf32>
    tpu.vector_store %arg8[%swap3A, %swap3A_29], %add3A_28 {strides = array<i32>} : memref<5000x128xf32, #tpu.memory_space<vmem>>, vector<5000x128xf32>,
    return
  }
  func.func @transform_0(%arg0: i32) -> (i32, i32) {
    %c0_i32 = arith.constant 0 : i32
    %c0_i32_0 = arith.constant 0 : i32
    return %arg0, %c0_i32 : i32, i32
  }
  func.func @transform_1(%arg0: i32) -> (i32, i32) {
    %c0_i32 = arith.constant 0 : i32
    %c0_i32_0 = arith.constant 0 : i32
    return %arg0, %c0_i32 : i32, i32
  }
  func.func @transform_2(%arg0: i32) -> (i32, i32) {
    %c0_i32 = arith.constant 0 : i32
    %c0_i32_0 = arith.constant 0 : i32
    return %arg0, %c0_i32 : i32, i32
  }
  func.func @transform_3(%arg0: i32) -> (i32, i32) {
    %c0_i32 = arith.constant 0 : i32
    %c0_i32_0 = arith.constant 0 : i32
    return %arg0, %c0_i32 : i32, i32
  }
  func.func @transform_4(%arg0: i32) -> (i32, i32) {
    %c0_i32 = arith.constant 0 : i32
    %c0_i32_0 = arith.constant 0 : i32
    %c0_i32_1 = arith.constant 0 : i32
    return %c0_i32, %c0_i32_0 : i32, i32
  }
  func.func @transform_5(%arg0: i32) -> (i32, i32) {
    %c0_i32 = arith.constant 0 : i32
    %c0_i32_0 = arith.constant 0 : i32
    %c0_i32_1 = arith.constant 0 : i32
    return %c0_i32, %c0_i32_0 : i32, i32
  }
  func.func @transform_6(%arg0: i32) -> (i32, i32) {
    %c0_i32 = arith.constant 0 : i32
    %c0_i32_0 = arith.constant 0 : i32
    %c0_i32_1 = arith.constant 0 : i32
    return %c0_i32, %c0_i32_0 : i32, i32
  }
  func.func @transform_7(%arg0: i32) -> (i32, i32) {
    %c0_i32 = arith.constant 0 : i32
    %c0_i32_0 = arith.constant 0 : i32
    return %arg0, %c0_i32 : i32, i32
  }
}

</mosaic_0001>

<sc_bundles>
// kernel: kernel.6.cloned.1.call-start
scs
__scs_entry_jumppad:
0x0: {  	(pc) =	sbr.rel $0x88, $3  }
0x1: {  	(tag) =	ssettag $0x0;
	lr =	simm.s32 $0x1  }
0x2: {  	[smem:$0x3F99] =	sst lr;
	_ =	strace $0xD0000000  }
0x3: {  	_ = 	snop  }
0x4: {  	_ = 	snop  }
0x5: {  	_ = 	snop  }
0x6: {  	_ = 	snop  }
0x7: {  	_ = 	snop  }
__scs_overlays_trampoline_lowered:
0x8: {  	[smem:$0x3FA8] =	sst s0  }
0x9: {  	[smem:$0x3FA9] =	sst s1  }
0xa: {  	[smem:$0x3FAA] =	sst s2  }
0xb: {  	[smem:$0x3FAB] =	sst s3  }
0xc: {  	[smem:$0x3FAC] =	sst s4  }
0xd: {  	[smem:$0x3FAD] =	sst s5  }
0xe: {  	[smem:$0x3FAE] =	sst s6  }
0xf: {  	[smem:$0x3FAF] =	sst s7  }
0x10: {  	[smem:$0x3FB0] =	sst s8  }
0x11: {  	[smem:$0x3FB1] =	sst s9;
	s0 =	simm.s32 @!p0 $0x0  }
0x12: {  	s1 =	sld [smem:$0x3F97];
	s0 =	simm.s32 @p0 $0x1  }
0x13: {  	[smem:$0x3FB2] =	sst s0;
	s0 =	simm.s32 @!p1 $0x0  }
0x14: {  	s2 =	sld [smem:$0x3F96];
	s0 =	simm.s32 @p1 $0x1  }
0x15: {  	[smem:$0x3FB3] =	sst s0;
	s0 =	simm.s32 @!p2 $0x0  }
0x16: {  	s3 =	sld [smem:$0x3FDB];
	s0 =	simm.s32 @p2 $0x1  }
0x17: {  	s4 =	simm.s32 $0x1BF5;
	[smem:$0x3FB5] =	sst s0  }
0x18: {  	s0 =	sld [smem:$0x3F98];
	_ =	swait.ge [sflag:s4], $0x0  }
0x19: {  	s7 =	sld [smem:$0x3F99]  }
0x1a: {  	s8 =	sadd.s32 $0xFFFFE003, lr  }
0x1b: {  	s9 =	sadd.s32 $0xFFFFFEF7, lr;
	s5 =	simm.s32 $0xFFFFFFFF;
	p2 =	slt.u32 s8, $0xFFFFF086  }
0x1c: {  	p1 =	slt.u32 s9, $0xF7A;
	s5 =	simm.s32 @!p2 $0x0  }
0x1d: {  	s5 =	simm.s32 @p1 $0x1;
	p0 =	seq.s32 s7, s2  }
0x1e: {  	s7 =	smul.u32 @!p0 $0xF7A, s2;
	p2 =	seq.s32 @!p0 s5, $0x0  }
0x1f: {  	s9 =	smul.u32 $0xF7A, s1;
	s8 =	simm.s32 @!p0 $0x1BF5;
	p2 =	por !p2, p0  }
0x20: {  	[sflag:s8] =	ssyncset.s32 @!p0 $0xFFFFF086;
	s6 =	sadd.s32 @!p0 s3, s7;
	s7 =	simm.s32 @!p0 $0x108  }
0x21: {  	s3 =	sadd.s32 s3, s9;
	s6 =	sadd.s32 @!p0 $0x88, s6;
	s7 =	simm.s32 @p2 $0x1082  }
0x22: {  	[simem:s7], [sflag:s8] =	dma.local @!p0 [hbm:s6], $0xF7A  }
0x23: {  	s9 =	sor.u32 $0xD0000000, s2;
	s6 =	simm.s32 $0x108;
	_ =	swait.ge @!p0 [sflag:s8], $0x0  }
0x24: {  	s3 =	sadd.s32 $0x88, s3;
	s6 =	simm.s32 @!p1 $0x1082;
	[sflag:s4] =	ssyncset.s32 $0xFFFFF086  }
0x25: {  	[simem:s6], [sflag:s4] =	dma.local [hbm:s3], $0xF7A  }
0x26: {  	[smem:$0x3F99] =	sst s1;
	(tag) =	ssettag s2;
	_ =	strace s9  }
0x27: {  	s1 =	sld [smem:$0x3FA9]  }
0x28: {  	s2 =	sld [smem:$0x3FAA]  }
0x29: {  	s4 =	sld [smem:$0x3FAC]  }
0x2a: {  	p0 =	seq.s32 s5, $0x0;
	s5 =	sld [smem:$0x3FAD]  }
0x2b: {  	s6 =	sld [smem:$0x3FAE]  }
0x2c: {  	s7 =	sld [smem:$0x3FAF]  }
0x2d: {  	s3 =	simm.s32 $0x108;
	s8 =	sld [smem:$0x3FB0]  }
0x2e: {  	s3 =	simm.s32 @!p0 $0x1082;
	s9 =	sld [smem:$0x3FB1]  }
0x2f: {  	lr =	sadd.s32 s0, s3;
	s0 =	sld [smem:$0x3FA8]  }
0x30: {  	s3 =	sld [smem:$0x3FAB]  }
0x31: {  	[smem:$0x3FB4] =	sst s10  }
0x32: {  	s10 =	sld [smem:$0x3FB2];
	_ =	sdelay $0x3  }
0x33: {  	p0 =	seq.s32 s10, $0x1;
	s10 =	sld [smem:$0x3FB4];
	_ =	sdelay $0x3  }
0x34: {  	[smem:$0x3FB4] =	sst s10  }
0x35: {  	s10 =	sld [smem:$0x3FB3];
	_ =	sdelay $0x3  }
0x36: {  	p1 =	seq.s32 s10, $0x1;
	s10 =	sld [smem:$0x3FB4];
	_ =	sdelay $0x3  }
0x37: {  	[smem:$0x3FB4] =	sst s10  }
0x38: {  	s10 =	sld [smem:$0x3FB5]  }
0x39: {  	_ = 	snop;
	(pc) =	sbr.ind lr, $3  }
0x3a: {  	_ = 	snop  }
0x3b: {  	_ = 	snop  }
0x3c: {  	p2 =	seq.s32 s10, $0x1;
	s10 =	sld [smem:$0x3FB4]  }
0x3d: {  	_ =	shalt  }
0x3e: {  	_ =	shalt  }
0x3f: {  	_ =	shalt  }
0x40: {  	_ =	shalt  }
0x41: {  	_ =	shalt  }
0x42: {  	_ =	shalt  }
0x43: {  	_ =	shalt  }
0x44: {  	_ =	shalt  }
0x45: {  	_ =	shalt  }
0x46: {  	_ =	shalt  }
0x47: {  	_ =	shalt  }
0x48: {  	_ =	shalt  }
0x49: {  	_ =	shalt  }
0x4a: {  	_ =	shalt  }
0x4b: {  	_ =	shalt  }
0x4c: {  	_ =	shalt  }
0x4d: {  	_ =	shalt  }
0x4e: {  	_ =	shalt  }
0x4f: {  	_ =	shalt  }
0x50: {  	_ =	shalt  }
0x51: {  	_ =	shalt  }
0x52: {  	_ =	shalt  }
0x53: {  	_ =	shalt  }
0x54: {  	_ =	shalt  }
0x55: {  	_ =	shalt  }
0x56: {  	_ =	shalt  }
0x57: {  	_ =	shalt  }
0x58: {  	_ =	shalt  }
0x59: {  	_ =	shalt  }
0x5a: {  	_ =	shalt  }
0x5b: {  	_ =	shalt  }
0x5c: {  	_ =	shalt  }
0x5d: {  	_ =	shalt  }
0x5e: {  	_ =	shalt  }
0x5f: {  	_ =	shalt  }
0x60: {  	_ =	shalt  }
0x61: {  	_ =	shalt  }
0x62: {  	_ =	shalt  }
0x63: {  	_ =	shalt  }
0x64: {  	_ =	shalt  }
0x65: {  	_ =	shalt  }
0x66: {  	_ =	shalt  }
0x67: {  	_ =	shalt  }
0x68: {  	_ =	shalt  }
0x69: {  	_ =	shalt  }
0x6a: {  	_ =	shalt  }
0x6b: {  	_ =	shalt  }
0x6c: {  	_ =	shalt  }
0x6d: {  	_ =	shalt  }
0x6e: {  	_ =	shalt  }
0x6f: {  	_ =	shalt  }
0x70: {  	_ =	shalt  }
0x71: {  	_ =	shalt  }
0x72: {  	_ =	shalt  }
0x73: {  	_ =	shalt  }
0x74: {  	_ =	shalt  }
0x75: {  	_ =	shalt  }
0x76: {  	_ =	shalt  }
0x77: {  	_ =	shalt  }
0x78: {  	_ =	shalt  }
0x79: {  	_ =	shalt  }
0x7a: {  	_ =	shalt  }
0x7b: {  	_ =	shalt  }
0x7c: {  	_ =	shalt  }
0x7d: {  	_ =	shalt  }
0x7e: {  	_ =	shalt  }
0x7f: {  	_ =	shalt  }
0x80: {  	_ =	shalt  }
0x81: {  	_ =	shalt  }
0x82: {  	_ =	shalt  }
0x83: {  	_ =	shalt  }
0x84: {  	_ =	shalt  }
0x85: {  	_ =	shalt  }
0x86: {  	_ =	shalt  }
0x87: {  	_ =	shalt  }
.Lfunc_end0:
.L_simem_size_0:
called_computation_lowered:
.L_overlay_start_0:
0x88: {  	s2 =	sld [smem:$0x3FD9]  }
0x89: {  	s3 =	sld [smem:$0x3FFE];
	_ =	sdelay $0x1  }
0x8a: {  	s1 =	srdreg.scid  }
0x8b: {  	s0 =	sand.u32 $0x1, s1  }
0x8c: {  	s17 =	sshll.u32 s0, $0xA;
	s2 =	sadd.s32 s3, s2  }
0x8d: {  	s2 =	sadd.s32 s2, s17  }
0x8e: {  	[smem:$0x3FC0] =	sst s2  }
0x8f: {  	_ = 	snop  }
0x90: {  	s2 =	sld [smem:$0x3FC9]  }
0x91: {  	s18 =	sld [smem:$0x3FD0];
	(tm) =	ssettm $0x1  }
0x92: {  	s4 =	sld [smem:$0x3FFB];
	_ =	sdelay $0x3  }
0x93: {  	_ =	strace s4  }
0x94: {  	s4 =	sld [smem:$0x3FFC];
	_ =	sdelay $0x3  }
0x95: {  	_ =	strace s4  }
0x96: {  	s4 =	sld [smem:$0x3FFD];
	_ =	sdelay $0x3  }
0x97: {  	_ =	strace s4  }
0x98: {  	_ =	strace $0x8FFFFFFF  }
0x99: {  	s19 =	sld [smem:$0x3FDB];
	_ =	sdelay $0x1  }
0x9a: {  	s5 =	simm.s32 $_scs_section_size  }
0x9b: {  	s6 =	simm.s32 $_size__tile_overlayer_lowered;
	s7 =	simm.s32 $_tile_overlayer_lowered  }
0x9c: {  	s22 =	simm.s32 $0x1BFF;
	s21 =	sshll.u32 s7, $0x1;
	s4 =	sadd.s32 s5, s19  }
0x9d: {  	s8 =	simm.s32 $0x0;
	s20 =	sshll.u32 s6, $0x1;
	s6 =	sadd.s32 s21, s4  }
0x9e: {  	[timem:s8], [sflag:s22] =	dma.local [hbm:s6], s20  }
0x9f: {  	_ =	swait.ge [sflag:s22], s20  }
0xa0: {  	s5 =	ssub.s32 $0x0, s20;
	[sflag:s22] =	ssyncset.done $0x0  }
0xa1: {  	[sflag:s22] =	ssyncadd.s32 s5;
	_ =	sdelay $0x1  }
0xa2: {  	s23 =	simm.s32 $0x1B8B  }
0xa3: {  	_ =	swait.ge [sflag:s23], $0x1  }
0xa4: {  	[sflag:s23] =	ssyncset.done $0x0  }
0xa5: {  	s25 =	simm.s32 $0x1B8E;
	s24 =	sld [smem:$0x3FFE];
	[sflag:s23] =	ssyncadd.s32 $0xFFFFFFFF  }
0xa6: {  	s26 =	simm.s32 $execute0_lowered;
	[smem:$0x3FD2] =	sst s25  }
0xa7: {  	s6 =	sshll.u32 s26, $0x1;
	_ =	strace $0x80000046;
	[dreg:$0x1] =	wrdreg $0xFFFFFFFF  }
0xa8: {  	s28 =	simm.s32 $_size_execute0_lowered;
	s4 =	sadd.s32 s4, s6;
	[dreg:$0x0] =	wrdreg $0x0  }
0xa9: {  	s6 =	sshll.u32 s28, $0x1;
	[dreg:$0x2] =	wrdreg s4  }
0xaa: {  	[dreg:$0x3] =	wrdreg s6  }
0xab: {  	[dreg:$0x4] =	wrdreg $0xC0  }
0xac: {  	_ =	task [dreg:s8], $0x5FFFF  }
0xad: {  	[dreg:$0x1] =	wrdreg $0xFFFFFFFF  }
0xae: {  	[dreg:$0x0] =	wrdreg $0x60  }
0xaf: {  	[dreg:$0x2] =	wrdreg s2  }
0xb0: {  	[dreg:$0x3] =	wrdreg s24  }
0xb1: {  	[dreg:$0x4] =	wrdreg s18  }
0xb2: {  	[dreg:$0x5] =	wrdreg $0xB7800  }
0xb3: {  	[dreg:$0x6] =	wrdreg $0x1F0800  }
0xb4: {  	[dreg:$0x7] =	wrdreg $0x9  }
0xb5: {  	_ =	task.clear_ibuf [dreg:s8], $0x8FFFF;
	_ =	strace $0x90000046  }
0xb6: {  	s29 =	simm.s32 $0x9;
	_ =	strace $0x80000048  }
0xb7: {  	_ =	swait.ge [sflag:s29], $0x1  }
0xb8: {  	[sflag:s29] =	ssyncadd.s32 $0xFFFFFFFF  }
0xb9: {  	_ =	strace $0x90000048  }
0xba: {  	_ =	sfence  }
0xbb: {  	s30 =	sld [smem:$0x0];
	_ =	sdelay $0x2  }
0xbc: {  	s31 =	sshll.u32 s1, $0xD;
	s1 =	sshrl.u32 s1, $0x2  }
0xbd: {  	s3 =	sand.u32 $0x4000, s31;
	s1 =	sadd.s32 s1, s30  }
0xbe: {  	s0 =	sor.u32 s3, s0;
	s1 =	sshll.u32 s1, $0x11  }
0xbf: {  	s0 =	sor.u32 s1, s0  }
0xc0: {  	s0 =	sadd.s32 $0x8F2B, s0  }
0xc1: {  	[sflag:s0] =	ssyncadd.remote.s32 $0x1  }
0xc2: {  	_ =	sfence.sel $0xFFFF  }
0xc3: {  	[dreg:$0x0] =	wrdreg $0xFFFFFFFF;
	(pc) =	sbr.abs _section_cstart, $3  }
0xc4: {  	[dreg:$0x1] =	wrdreg $0xFFFFFFFF  }
0xc5: {  	_ =	task.clear_ibuf [dreg:s8], $0x2FFFF;
	_ =	strace $0x9FFFFFFF  }
0xc6: {  	(tm) =	ssettm $0x7FFFFFFF  }
0xc7: {  	_ =	shalt  }
tec
execute0_lowered:
.L_overlay_start_1:
0x0: {  	(tag) =	ssettag $0x1  }
0x1: {  	s0 =	rddreg [dreg:$0x0]  }
0x2: {  	s1 =	rddreg [dreg:$0x1]  }
0x3: {  	s6 =	rddreg [dreg:$0x2]  }
0x4: {  	s3 =	rddreg [dreg:$0x3]  }
0x5: {  	s2 =	srdreg.scid;
	s4 =	rddreg [dreg:$0x4]  }
0x6: {  	s5 =	simm.s32 $0x0;
	s28 =	simm.s32 $0x6780;
	s30 =	simm.s32 $0x50  }
0x7: {  	s31 =	simm.s32 $0x2;
	s29 =	simm.s32 $0x1;
	s7 =	sand.u32 $0x1, s2  }
0x8: {  	s2 =	stileid.u32;
	[smem:$0x7FF] =	sst s5;
	s10 =	sadd.s32 $0x1C000, s1  }
0x9: {  	s16 =	sadd.s32 $0x1BE00, s1;
	_ =	strace $0x80000047;
	[dreg:$0x6] =	wrdreg s10  }
0xa: {  	s12 =	sadd.s32 $0x1C600, s1;
	s14 =	sadd.s32 $0x1CC00, s1;
	[dreg:$0x7] =	wrdreg s16  }
0xb: {  	s23 =	sadd.s32 $0x68D00, s1;
	s11 =	smul.u32 $0x2700, s2;
	[dreg:$0x8] =	wrdreg s12  }
0xc: {  	s8 =	sshll.u32 s7, $0x4;
	s17 =	smul.u32 $0x4E000, s2;
	[dreg:$0x9] =	wrdreg s14  }
0xd: {  	s18 =	ssub.s32 $0x2, s7;
	s12 =	sadd.s32 $0x124800, s3;
	[dreg:$0xf] =	wrdreg s23  }
0xe: {  	p0 =	sne.s32 s2, $0xF;
	s25 =	sor.u32 s2, s7;
	s23 =	simm.s32 $0x1F000  }
0xf: {  	p4 =	sne.s32 s7, $0x0;
	s7 =	simm.s32 $0x6;
	s8 =	sor.u32 s2, s8  }
0x10: {  	s19 =	sshrl.u32 s18, $0x1;
	p1 =	sne.s32 @p0 s2, $0x0;
	p3 =	sne.s32 @!p4 s2, $0xF  }
0x11: {  	s9 =	smul.u32 $0x4E2, s8;
	s8 =	sshll.u32 s8, $0xB;
	s13 =	sadd.s32 s11, s1  }
0x12: {  	s10 =	sshrl.u32 s17, $0x2;
	s14 =	ssub.s32 s18, s19;
	s11 =	sadd.s32 s6, s11  }
0x13: {  	s6 =	sadd.s32 $0x24900, s6;
	p2 =	por p1, !p0;
	[dreg:$0xa] =	wrdreg s11  }
0x14: {  	p1 =	por !p1, !p0;
	s8 =	sadd.s32 s8, s1;
	[dreg:$0xb] =	wrdreg s6  }
0x15: {  	s22 =	sadd.s32 $0x44400, s13;
	s24 =	sadd.s32 $0x1D200, s13;
	s26 =	smax.u32 s14, $0x1  }
0x16: {  	s6 =	sshll.u32 @p0 s2, $0x6;
	s21 =	sadd.s32 $0xBE00, s8;
	[dreg:$0xe] =	wrdreg s22  }
0x17: {  	[dreg:$0xd] =	wrdreg s21;
	s21 =	sor.u32 @p0 $0x1C08, s6;
	s6 =	simm.s32 @!p2 $0x0  }
0x18: {  	s9 =	sadd.s32 s9, s1;
	[dreg:$0x10] =	wrdreg s24;
	s6 =	simm.s32 @p2 $0x1  }
0x19: {  	s1 =	sadd.s32 $0x41B00, s1;
	[smem:$0x7F8] =	sst s6;
	s6 =	simm.s32 @!p1 $0x0  }
0x1a: {  	[dreg:$0x12] =	wrdreg s26;
	s6 =	simm.s32 @p1 $0x1;
	p1 =	sne.s32 s25, $0x0  }
0x1b: {  	s10 =	sadd.s32 s10, s3;
	[dreg:$0x11] =	wrdreg s1;
	s1 =	simm.s32 @!p1 $0x0  }
0x1c: {  	s22 =	sshrl.u32 @p0 s10, $0x3;
	s1 =	simm.s32 @p1 $0x1;
	p1 =	seq.s32 @p4 s2, $0xF  }
0x1d: {  	s24 =	simm.s32 $0x8;
	s26 =	simm.s32 $0x28;
	p2 =	por !p1, !p4  }
0x1e: {  	s20 =	sadd.s32 $0x2000, s9;
	[smem:$0x7FA] =	sst s1;
	s1 =	simm.s32 @!p2 $0x0  }
0x1f: {  	[dreg:$0xc] =	wrdreg s20;
	p1 =	por p1, !p4;
	s1 =	simm.s32 @p2 $0x1  }
0x20: {  	s8 =	simm.s32 $0x5;
	[smem:$0x7FB] =	sst s1;
	s1 =	simm.s32 @!p1 $0x0  }
0x21: {  	s9 =	simm.s32 $0x0;
	[smem:$0x7F9] =	sst s6;
	s1 =	simm.s32 @p1 $0x1  }
0x22: {  	s25 =	simm.s32 $0x2780;
	[smem:$0x7FC] =	sst s1;
	s1 =	simm.s32 @!p4 $0x0  }
0x23: {  	s6 =	simm.s32 $0x6580;
	p2 =	por !p3, p4;
	s1 =	simm.s32 @p4 $0x1  }
0x24: {  	p3 =	por p3, p4;
	[smem:$0x7FD] =	sst s1;
	s1 =	simm.s32 $0x7  }
.LBB2_1:
0x25: {  	s11 =	rddreg [dreg:$0xa]  }
0x26: {  	[spmem:s22], [sflag:s21] =	dma.local @p0 [hbm:s11], $0x2700  }
0x27: {  	s11 =	simm.s32 @p0 $0x8  }
0x28: {  	_ =	swait.ge @p0 [sflag:s11], $0x2700  }
0x29: {  	s18 =	sld [smem:$0x7F8];
	_ =	sdelay $0x2  }
0x2a: {  	[sflag:s11] =	ssyncset.done @p0 $0x0;
	s14 =	rddreg [dreg:$0x6];
	p4 =	seq.s32 s18, $0x1  }
0x2b: {  	[sflag:s11] =	ssyncadd.s32 @p0 $0xFFFFD900;
	s11 =	sshrl.u32 @!p4 s4, $0x3;
	s13 =	simm.s32 @!p4 $0x1C08  }
0x2c: {  	[spmem:s11], [sflag:s13] =	dma.local @!p4 [hbm:s14], $0x4F0  }
0x2d: {  	s11 =	simm.s32 @!p4 $0x8  }
0x2e: {  	_ =	swait.ge @!p4 [sflag:s11], $0x4F0  }
0x2f: {  	s13 =	simm.s32 @!p0 $0x1FC8;
	[sflag:s11] =	ssyncset.done @!p4 $0x0  }
0x30: {  	s14 =	rddreg [dreg:$0xb];
	[sflag:s11] =	ssyncadd.s32 @!p4 $0xFFFFFB10;
	s11 =	sshrl.u32 @!p0 s12, $0x3  }
0x31: {  	[spmem:s11], [sflag:s13] =	dma.local @!p0 [hbm:s14], $0x2800  }
0x32: {  	s11 =	simm.s32 @!p0 $0x8  }
0x33: {  	_ =	swait.ge @!p0 [sflag:s11], $0x2800  }
0x34: {  	[sflag:s11] =	ssyncset.done @!p0 $0x0  }
0x35: {  	s19 =	rddreg [dreg:$0x7];
	[sflag:s11] =	ssyncadd.s32 @!p0 $0xFFFFD800  }
0x36: {  	[tilespmem:s23], [sflag:$0x8] =	stream.linear.gather [hbm4b:s19+s5], $0x80, $0x38;
	[tilespmem:$0x1F2F8] =	vst v63  }
0x37: {  	_ =	swait.ge [sflag:s24], $0x80  }
0x38: {  	[sflag:s24] =	ssyncset.done $0x0  }
0x39: {  	s20 =	rddreg [dreg:$0xc];
	[sflag:s24] =	ssyncadd.s32 $0xFFFFFF80  }
0x3a: {  	[tilespmem:s5], [sflag:$0x8] =	stream.linear.gather [hbm4b:s20+s5], $0x2710, $0x38;
	[tilespmem:$0x1F2F8] =	vst v63  }
0x3b: {  	_ =	swait.ge [sflag:s24], $0x2710  }
0x3c: {  	[sflag:s24] =	ssyncset.done $0x0  }
0x3d: {  	s13 =	rddreg [dreg:$0xd];
	[sflag:s24] =	ssyncadd.s32 $0xFFFFD8F0  }
0x3e: {  	[tilespmem:s25], [sflag:$0x8] =	stream.linear.gather [hbm4b:s13+s5], $0x3E80, $0x38;
	[tilespmem:$0x1F2F8] =	vst v63  }
0x3f: {  	_ =	swait.ge [sflag:s24], $0x3E80  }
0x40: {  	[sflag:s24] =	ssyncset.done $0x0  }
0x41: {  	[sflag:s24] =	ssyncadd.s32 $0xFFFFC180  }
0x42: {  	[bflag:$0x0] =	sbarrier.arrive $0xFFFF  }
0x43: {  	[tilespmem:s28], [sflag:$0x1] =	stream.indirect.gather [hbm4b:s0+s26], $0x80, s5, s26, $0xb8;
	[tilespmem:$0x1F2F8] =	vst v63  }
0x44: {  	s14 =	simm.s32 $0x7B80  }
0x45: {  	[tilespmem:s14], [sflag:$0x2] =	stream.indirect.gather [hbm4b:s0+s26], $0x80, s26, s26, $0xb8;
	[tilespmem:$0x1F2F8] =	vst v63  }
0x46: {  	s15 =	simm.s32 $0x8F80  }
0x47: {  	[tilespmem:s15], [sflag:$0x3] =	stream.indirect.gather [hbm4b:s0+s26], $0x80, s30, s26, $0xb8;
	[tilespmem:$0x1F2F8] =	vst v63  }
0x48: {  	s16 =	simm.s32 $0x78;
	s17 =	simm.s32 $0xA380  }
0x49: {  	[tilespmem:s17], [sflag:$0x4] =	stream.indirect.gather [hbm4b:s0+s26], $0x80, s16, s26, $0xb8;
	[tilespmem:$0x1F2F8] =	vst v63  }
0x4a: {  	_ =	swait.ge [sflag:s29], $0x1400  }
0x4b: {  	[sflag:s29] =	ssyncset.done $0x0  }
0x4c: {  	[sflag:s29] =	ssyncadd.s32 $0xFFFFEC00  }
0x4d: {  	_ =	swait.ge [sflag:s31], $0x1400  }
0x4e: {  	s18 =	sand.u32 $0x1, s29;
	[sflag:s31] =	ssyncset.done $0x0  }
0x4f: {  	p1 =	seq.s32 s18, $0x1;
	[sflag:s31] =	ssyncadd.s32 $0xFFFFEC00  }
0x50: {  	[spmem:s3] =	stream.indirect.scatter.add.f32 [tilespmem:s28], [sflag:$0x5], $0x80, s25, s30, $0xb8;
	[tilespmem:$0x1F2F8] =	vst v63  }
0x51: {  	s11 =	simm.s32 @p1 $0x5  }
0x52: {  	[spmem:s4] =	stream.indirect.scatter.add.f32 [tilespmem:s23], [sflag:$0x7], $0x1, s25, s30, $0xb8;
	[tilespmem:$0x1F2F8] =	vst v63  }
0x53: {  	_ =	swait.ge @p1 [sflag:s11], $0x2800  }
0x54: {  	s13 =	simm.s32 @p1 $0x6780;
	[sflag:s11] =	ssyncset.done @p1 $0x0  }
0x55: {  	s14 =	simm.s32 $0xA0;
	[sflag:s11] =	ssyncadd.s32 @p1 $0xFFFFD800;
	s11 =	simm.s32 @p1 $0x28  }
0x56: {  	[tilespmem:s13], [sflag:$0x1] =	stream.indirect.gather @p1 [hbm4b:s0+s11], $0x80, s14, s11, $0xb8;
	[tilespmem:$0x1F2F8] =	vst v63  }
0x57: {  	s15 =	simm.s32 $0xC8;
	s16 =	simm.s32 @p1 $0x3;
	s13 =	simm.s32 @p1 $0x7B80  }
0x58: {  	[tilespmem:s13], [sflag:$0x2] =	stream.indirect.gather @p1 [hbm4b:s0+s11], $0x80, s15, s11, $0xb8;
	[tilespmem:$0x1F2F8] =	vst v63  }
0x59: {  	_ =	swait.ge @p1 [sflag:s16], $0x1400  }
0x5a: {  	[sflag:s16] =	ssyncset.done @p1 $0x0  }
0x5b: {  	s11 =	simm.s32 @p1 $0x4;
	[sflag:s16] =	ssyncadd.s32 @p1 $0xFFFFEC00  }
0x5c: {  	_ =	swait.ge @p1 [sflag:s11], $0x1400  }
0x5d: {  	s13 =	simm.s32 $0x2800;
	[sflag:s11] =	ssyncset.done @p1 $0x0  }
0x5e: {  	s16 =	simm.s32 @p1 $0x8F80;
	[sflag:s11] =	ssyncadd.s32 @p1 $0xFFFFEC00;
	s11 =	simm.s32 @p1 $0x50  }
0x5f: {  	[spmem:s3] =	stream.indirect.scatter.add.f32 @p1 [tilespmem:s16], [sflag:$0x6], $0x80, s13, s11, $0xb8;
	[tilespmem:$0x1F2F8] =	vst v63  }
0x60: {  	s11 =	simm.s32 @!p1 $0x6  }
0x61: {  	_ =	swait.ge @!p1 [sflag:s11], $0x2800  }
0x62: {  	[sflag:s11] =	ssyncset.done @!p1 $0x0  }
0x63: {  	s16 =	simm.s32 @!p1 $0x8F80;
	[sflag:s11] =	ssyncadd.s32 @!p1 $0xFFFFD800;
	s11 =	simm.s32 @!p1 $0x28  }
0x64: {  	[tilespmem:s16], [sflag:$0x3] =	stream.indirect.gather @!p1 [hbm4b:s0+s11], $0x80, s14, s11, $0xb8;
	[tilespmem:$0x1F2F8] =	vst v63  }
0x65: {  	s14 =	simm.s32 @!p1 $0xA380  }
0x66: {  	[tilespmem:s14], [sflag:$0x4] =	stream.indirect.gather @!p1 [hbm4b:s0+s11], $0x80, s15, s11, $0xb8;
	[tilespmem:$0x1F2F8] =	vst v63  }
0x67: {  	s11 =	simm.s32 @!p1 $0x1  }
0x68: {  	_ =	swait.ge @!p1 [sflag:s11], $0x1400  }
0x69: {  	[sflag:s11] =	ssyncset.done @!p1 $0x0  }
0x6a: {  	[sflag:s11] =	ssyncadd.s32 @!p1 $0xFFFFEC00;
	s11 =	simm.s32 @!p1 $0x2  }
0x6b: {  	p5 =	por @!p4 $0x1, $0x1;
	_ =	swait.ge @!p1 [sflag:s11], $0x1400  }
0x6c: {  	s20 =	simm.s32 $0x2;
	s14 =	simm.s32 @!p1 $0x6780;
	[sflag:s11] =	ssyncset.done @!p1 $0x0  }
0x6d: {  	s19 =	sld [smem:$0x7F9];
	[sflag:s11] =	ssyncadd.s32 @!p1 $0xFFFFEC00;
	s11 =	simm.s32 @!p1 $0x50  }
0x6e: {  	[spmem:s3] =	stream.indirect.scatter.add.f32 @!p1 [tilespmem:s14], [sflag:$0x5], $0x80, s13, s11, $0xb8;
	[tilespmem:$0x1F2F8] =	vst v63  }
0x6f: {  	s15 =	simm.s32 $0x3;
	p1 =	por @p0 $0x0, $0x0;
	s11 =	sand.u32 $0x1, s20  }
0x70: {  	s14 =	simm.s32 $0xF0;
	p4 =	seq.s32 s19, $0x1;
	_ =	swait.ge [sflag:s1], $0x50  }
0x71: {  	p5 =	por @!p4 p1, p1;
	p1 =	por @!p0 $0x0, $0x0;
	[sflag:s1] =	ssyncset.done $0x0  }
0x72: {  	p5 =	por @!p0 p1, p1;
	p1 =	seq.s32 s11, $0x1;
	s11 =	simm.s32 $0x2880  }
.LBB2_2:
0x73: {  	s17 =	simm.s32 @p1 $0x5  }
0x74: {  	[sflag:s1] =	ssyncadd.s32 $0xFFFFFFB0;
	s16 =	smov.u32 s15;
	s15 =	sadd.s32 $0x1, s15  }
0x75: {  	[spmem:s4] =	stream.indirect.scatter.add.f32 [tilespmem:s23], [sflag:$0x7], $0x1, s13, s30, $0xb8;
	[tilespmem:$0x1F2F8] =	vst v63  }
0x76: {  	p4 =	sne.s32 s15, $0x7C;
	s13 =	smov.u32 s11;
	_ =	swait.ge @p1 [sflag:s17], $0x2800  }
0x77: {  	[sflag:s17] =	ssyncset.done @p1 $0x0  }
0x78: {  	s18 =	simm.s32 @p1 $0x6780;
	[sflag:s17] =	ssyncadd.s32 @p1 $0xFFFFD800;
	s17 =	simm.s32 @p1 $0x28  }
0x79: {  	[tilespmem:s18], [sflag:$0x1] =	stream.indirect.gather @p1 [hbm4b:s0+s17], $0x80, s14, s17, $0xb8;
	[tilespmem:$0x1F2F8] =	vst v63  }
0x7a: {  	s19 =	simm.s32 @p1 $0x7B80;
	s20 =	simm.s32 @p1 $0x3;
	s18 =	sadd.s32 $0x28, s14  }
0x7b: {  	[tilespmem:s19], [sflag:$0x2] =	stream.indirect.gather @p1 [hbm4b:s0+s17], $0x80, s18, s17, $0xb8;
	[tilespmem:$0x1F2F8] =	vst v63  }
0x7c: {  	_ =	swait.ge @p1 [sflag:s20], $0x1400  }
0x7d: {  	[sflag:s20] =	ssyncset.done @p1 $0x0  }
0x7e: {  	s17 =	simm.s32 @p1 $0x4;
	[sflag:s20] =	ssyncadd.s32 @p1 $0xFFFFEC00  }
0x7f: {  	_ =	swait.ge @p1 [sflag:s17], $0x1400  }
0x80: {  	s19 =	simm.s32 @!p1 $0x6;
	[sflag:s17] =	ssyncset.done @p1 $0x0  }
0x81: {  	s20 =	simm.s32 @p1 $0x8F80;
	[sflag:s17] =	ssyncadd.s32 @p1 $0xFFFFEC00;
	s17 =	simm.s32 @p1 $0x50  }
0x82: {  	[spmem:s3] =	stream.indirect.scatter.add.f32 @p1 [tilespmem:s20], [sflag:$0x6], $0x80, s11, s17, $0xb8;
	[tilespmem:$0x1F2F8] =	vst v63  }
0x83: {  	_ =	swait.ge @!p1 [sflag:s19], $0x2800  }
0x84: {  	[sflag:s19] =	ssyncset.done @!p1 $0x0  }
0x85: {  	s17 =	simm.s32 @!p1 $0x28;
	[sflag:s19] =	ssyncadd.s32 @!p1 $0xFFFFD800;
	s19 =	simm.s32 @!p1 $0x8F80  }
0x86: {  	[tilespmem:s19], [sflag:$0x3] =	stream.indirect.gather @!p1 [hbm4b:s0+s17], $0x80, s14, s17, $0xb8;
	[tilespmem:$0x1F2F8] =	vst v63  }
0x87: {  	s20 =	simm.s32 @!p1 $0x1;
	s19 =	simm.s32 @!p1 $0xA380  }
0x88: {  	[tilespmem:s19], [sflag:$0x4] =	stream.indirect.gather @!p1 [hbm4b:s0+s17], $0x80, s18, s17, $0xb8;
	[tilespmem:$0x1F2F8] =	vst v63  }
0x89: {  	_ =	swait.ge @!p1 [sflag:s20], $0x1400  }
0x8a: {  	[sflag:s20] =	ssyncset.done @!p1 $0x0  }
0x8b: {  	s17 =	simm.s32 @!p1 $0x2;
	[sflag:s20] =	ssyncadd.s32 @!p1 $0xFFFFEC00  }
0x8c: {  	_ =	swait.ge @!p1 [sflag:s17], $0x1400  }
.Ltmp0:
0x8d: {  	[sflag:s17] =	ssyncset.done @!p1 $0x0;
	(pc) =	sbr.rel @p4 .LBB2_2-.Ltmp0, $4  }
0x8e: {  	s18 =	simm.s32 @!p1 $0x6780;
	[sflag:s17] =	ssyncadd.s32 @!p1 $0xFFFFEC00;
	s17 =	simm.s32 @!p1 $0x50  }
0x8f: {  	[spmem:s3] =	stream.indirect.scatter.add.f32 @!p1 [tilespmem:s18], [sflag:$0x5], $0x80, s11, s17, $0xb8;
	[tilespmem:$0x1F2F8] =	vst v63  }
0x90: {  	s16 =	sand.u32 $0x1, s16;
	s14 =	sadd.s32 $0x50, s14;
	_ =	swait.ge [sflag:s1], $0x50  }
0x91: {  	p1 =	seq.s32 s16, $0x1;
	s11 =	sadd.s32 $0x80, s11;
	[sflag:s1] =	ssyncset.done $0x0  }
0x92: {  	s15 =	simm.s32 @p1 $0x5;
	[sflag:s1] =	ssyncadd.s32 $0xFFFFFFB0  }
0x93: {  	[spmem:s4] =	stream.indirect.scatter.add.f32 [tilespmem:s23], [sflag:$0x7], $0x1, s13, s30, $0xb8;
	[tilespmem:$0x1F2F8] =	vst v63  }
0x94: {  	_ =	swait.ge @p1 [sflag:s15], $0x2800  }
0x95: {  	[sflag:s15] =	ssyncset.done @p1 $0x0  }
0x96: {  	s13 =	simm.s32 @p1 $0x28;
	[sflag:s15] =	ssyncadd.s32 @p1 $0xFFFFD800;
	s15 =	simm.s32 @p1 $0x6780  }
0x97: {  	[tilespmem:s15], [sflag:$0x1] =	stream.indirect.gather @p1 [hbm4b:s0+s13], $0x80, s14, s13, $0xb8;
	[tilespmem:$0x1F2F8] =	vst v63  }
0x98: {  	s16 =	simm.s32 @p1 $0x7B80;
	s15 =	sadd.s32 $0x28, s14  }
0x99: {  	[tilespmem:s16], [sflag:$0x2] =	stream.indirect.gather @p1 [hbm4b:s0+s13], $0x80, s15, s13, $0xb8;
	[tilespmem:$0x1F2F8] =	vst v63  }
0x9a: {  	s13 =	simm.s32 @p1 $0x3  }
0x9b: {  	_ =	swait.ge @p1 [sflag:s13], $0x1400  }
0x9c: {  	[sflag:s13] =	ssyncset.done @p1 $0x0  }
0x9d: {  	[sflag:s13] =	ssyncadd.s32 @p1 $0xFFFFEC00;
	s13 =	simm.s32 @p1 $0x4  }
0x9e: {  	_ =	swait.ge @p1 [sflag:s13], $0x1400  }
0x9f: {  	[sflag:s13] =	ssyncset.done @p1 $0x0  }
0xa0: {  	s16 =	simm.s32 @p1 $0x8F80;
	[sflag:s13] =	ssyncadd.s32 @p1 $0xFFFFEC00;
	s13 =	simm.s32 @p1 $0x50  }
0xa1: {  	[spmem:s3] =	stream.indirect.scatter.add.f32 @p1 [tilespmem:s16], [sflag:$0x6], $0x80, s11, s13, $0xb8;
	[tilespmem:$0x1F2F8] =	vst v63  }
0xa2: {  	s13 =	simm.s32 @!p1 $0x6  }
0xa3: {  	_ =	swait.ge @!p1 [sflag:s13], $0x2800  }
0xa4: {  	[sflag:s13] =	ssyncset.done @!p1 $0x0  }
0xa5: {  	s16 =	simm.s32 @!p1 $0x8F80;
	[sflag:s13] =	ssyncadd.s32 @!p1 $0xFFFFD800;
	s13 =	simm.s32 @!p1 $0x28  }
0xa6: {  	[tilespmem:s16], [sflag:$0x3] =	stream.indirect.gather @!p1 [hbm4b:s0+s13], $0x80, s14, s13, $0xb8;
	[tilespmem:$0x1F2F8] =	vst v63  }
0xa7: {  	s14 =	simm.s32 @!p1 $0xA380  }
0xa8: {  	[tilespmem:s14], [sflag:$0x4] =	stream.indirect.gather @!p1 [hbm4b:s0+s13], $0x80, s15, s13, $0xb8;
	[tilespmem:$0x1F2F8] =	vst v63  }
0xa9: {  	s13 =	simm.s32 @!p1 $0x1  }
0xaa: {  	_ =	swait.ge @!p1 [sflag:s13], $0x1400  }
0xab: {  	[sflag:s13] =	ssyncset.done @!p1 $0x0  }
0xac: {  	[sflag:s13] =	ssyncadd.s32 @!p1 $0xFFFFEC00;
	s13 =	simm.s32 @!p1 $0x2  }
0xad: {  	_ =	swait.ge @!p1 [sflag:s13], $0x1400  }
0xae: {  	[sflag:s13] =	ssyncset.done @!p1 $0x0  }
0xaf: {  	s14 =	simm.s32 @!p1 $0x6780;
	[sflag:s13] =	ssyncadd.s32 @!p1 $0xFFFFEC00;
	s13 =	simm.s32 @!p1 $0x50  }
0xb0: {  	[spmem:s3] =	stream.indirect.scatter.add.f32 @!p1 [tilespmem:s14], [sflag:$0x5], $0x80, s11, s13, $0xb8;
	[tilespmem:$0x1F2F8] =	vst v63  }
0xb1: {  	_ =	swait.ge [sflag:s1], $0x50  }
0xb2: {  	[sflag:s1] =	ssyncset.done $0x0  }
0xb3: {  	[sflag:s1] =	ssyncadd.s32 $0xFFFFFFB0  }
0xb4: {  	[spmem:s4] =	stream.indirect.scatter.add.f32 [tilespmem:s23], [sflag:$0x7], $0x1, s11, s30, $0xb8;
	[tilespmem:$0x1F2F8] =	vst v63  }
0xb5: {  	_ =	swait.ge [sflag:s29], $0x1400  }
0xb6: {  	[sflag:s29] =	ssyncset.done $0x0  }
0xb7: {  	[sflag:s29] =	ssyncadd.s32 $0xFFFFEC00  }
0xb8: {  	_ =	swait.ge [sflag:s31], $0x1400  }
0xb9: {  	[sflag:s31] =	ssyncset.done $0x0  }
0xba: {  	[sflag:s31] =	ssyncadd.s32 $0xFFFFEC00  }
0xbb: {  	[spmem:s3] =	stream.indirect.scatter.add.f32 [tilespmem:s28], [sflag:$0x5], $0x80, s6, s30, $0xb8;
	[tilespmem:$0x1F2F8] =	vst v63  }
0xbc: {  	_ =	swait.ge [sflag:s1], $0x50  }
0xbd: {  	[sflag:s1] =	ssyncset.done $0x0  }
0xbe: {  	[sflag:s1] =	ssyncadd.s32 $0xFFFFFFB0  }
0xbf: {  	[spmem:s4] =	stream.indirect.scatter.add.f32 [tilespmem:s23], [sflag:$0x7], $0x1, s6, s30, $0xb8;
	[tilespmem:$0x1F2F8] =	vst v63  }
0xc0: {  	_ =	swait.ge [sflag:s7], $0x2800  }
0xc1: {  	[sflag:s7] =	ssyncset.done $0x0  }
0xc2: {  	[sflag:s7] =	ssyncadd.s32 $0xFFFFD800  }
0xc3: {  	_ =	swait.ge [sflag:s8], $0x2800  }
0xc4: {  	[sflag:s8] =	ssyncset.done $0x0  }
0xc5: {  	[sflag:s8] =	ssyncadd.s32 $0xFFFFD800  }
0xc6: {  	_ =	swait.ge [sflag:s1], $0x50  }
0xc7: {  	[sflag:s1] =	ssyncset.done $0x0  }
0xc8: {  	[sflag:s1] =	ssyncadd.s32 $0xFFFFFFB0  }
0xc9: {  	[bflag:$0x0] =	sbarrier.arrive $0xFFFF  }
0xca: {  	s17 =	sld [smem:$0x7FB];
	_ =	sdelay $0x2  }
0xcb: {  	p1 =	seq.s32 s17, $0x1  }
0xcc: {  	s14 =	rddreg [dreg:$0xf];
	s11 =	sshrl.u32 @!p1 s12, $0x3;
	s13 =	simm.s32 @!p1 $0x1FC8  }
0xcd: {  	[hbm:s14], [sflag:s13] =	dma.local @!p1 [spmem:s11], $0x2800  }
0xce: {  	s11 =	simm.s32 @!p1 $0x8  }
0xcf: {  	_ =	swait.ge @!p1 [sflag:s11], $0x2800  }
0xd0: {  	s18 =	sld [smem:$0x7FC];
	_ =	sdelay $0x2  }
0xd1: {  	p4 =	seq.s32 s18, $0x1  }
0xd2: {  	[sflag:s11] =	ssyncset.done @!p1 $0x0;
	s14 =	rddreg [dreg:$0xe];
	s13 =	sshll.u32 @!p4 s2, $0x6  }
0xd3: {  	[sflag:s11] =	ssyncadd.s32 @!p1 $0xFFFFD800;
	s11 =	sor.u32 @!p4 $0x1C08, s13;
	s13 =	sshrl.u32 @!p4 s10, $0x3  }
0xd4: {  	[hbm:s14], [sflag:s11] =	dma.local @!p4 [spmem:s13], $0x2700  }
0xd5: {  	s11 =	simm.s32 @!p4 $0x8  }
0xd6: {  	_ =	swait.ge @!p4 [sflag:s11], $0x2700  }
0xd7: {  	s13 =	sshll.u32 @!p2 s2, $0x6;
	[sflag:s11] =	ssyncset.done @!p4 $0x0;
	s14 =	rddreg [dreg:$0x10]  }
0xd8: {  	[sflag:s11] =	ssyncadd.s32 @!p4 $0xFFFFD900;
	s11 =	sor.u32 @!p2 $0x1C08, s13;
	s13 =	sshrl.u32 @!p2 s10, $0x3  }
0xd9: {  	[hbm:s14], [sflag:s11] =	dma.local @!p2 [spmem:s13], $0x2700  }
0xda: {  	s11 =	simm.s32 @!p2 $0x8  }
0xdb: {  	_ =	swait.ge @!p2 [sflag:s11], $0x2700  }
0xdc: {  	s13 =	simm.s32 @!p3 $0x1FC8;
	[sflag:s11] =	ssyncset.done @!p2 $0x0  }
0xdd: {  	s14 =	rddreg [dreg:$0x11];
	[sflag:s11] =	ssyncadd.s32 @!p2 $0xFFFFD900;
	s11 =	sshrl.u32 @!p3 s12, $0x3  }
0xde: {  	[hbm:s14], [sflag:s13] =	dma.local @!p3 [spmem:s11], $0x2800  }
0xdf: {  	s11 =	simm.s32 @!p3 $0x8  }
0xe0: {  	_ =	swait.ge @!p3 [sflag:s11], $0x2800  }
0xe1: {  	s19 =	sld [smem:$0x7FA];
	_ =	sdelay $0x2  }
0xe2: {  	[sflag:s11] =	ssyncset.done @!p3 $0x0;
	p6 =	seq.s32 s19, $0x1  }
0xe3: {  	[sflag:s11] =	ssyncadd.s32 @!p3 $0xFFFFD800;
	s11 =	sshll.u32 @!p6 s2, $0x6  }
0xe4: {  	s14 =	rddreg [dreg:$0x8];
	s13 =	sshrl.u32 @!p6 s4, $0x3;
	s11 =	sor.u32 @!p6 $0x1C08, s11  }
0xe5: {  	[hbm:s14], [sflag:s11] =	dma.local @!p6 [spmem:s13], $0x4F0  }
0xe6: {  	s13 =	sld [smem:$0x7FD];
	_ =	sdelay $0x1  }
0xe7: {  	p1 =	por @!p2 $0x0, $0x0;
	p4 =	por @!p3 $0x0, $0x0  }
0xe8: {  	p4 =	por @!p2 p1, p1;
	s11 =	simm.s32 @!p6 $0x8;
	p1 =	seq.s32 s13, $0x1  }
0xe9: {  	_ =	swait.ge @!p6 [sflag:s11], $0x4F0;
	p5 =	por @!p1 p4, p4  }
0xea: {  	[sflag:s11] =	ssyncset.done @!p6 $0x0;
	s14 =	rddreg [dreg:$0x9];
	s13 =	sshll.u32 @p5 s2, $0x6  }
0xeb: {  	[sflag:s11] =	ssyncadd.s32 @!p6 $0xFFFFFB10;
	s11 =	sor.u32 @p5 $0x1C08, s13;
	s13 =	sshrl.u32 @p5 s4, $0x3  }
0xec: {  	[hbm:s14], [sflag:s11] =	dma.local @p5 [spmem:s13], $0x4F0  }
0xed: {  	s11 =	simm.s32 @p5 $0x8  }
0xee: {  	_ =	swait.ge @p5 [sflag:s11], $0x4F0  }
0xef: {  	s9 =	sadd.s32 $0x1, s9;
	s20 =	rddreg [dreg:$0x12]  }
0xf0: {  	p1 =	sne.s32 s9, s20  }
.Ltmp1:
0xf1: {  	_ = 	snop;
	(pc) =	sbr.rel @p1 .LBB2_1-.Ltmp1, $3  }
0xf2: {  	_ =	sdelay $0x1  }
0xf3: {  	[sflag:s11] =	ssyncset.done @p5 $0x0  }
0xf4: {  	[sflag:s11] =	ssyncadd.s32 @p5 $0xFFFFFB10  }
0xf5: {  	_ =	sfence.sel $0x180000  }
0xf6: {  	[bflag:$0x0] =	sbarrier.arrive $0xFFFF  }
0xf7: {  	_ =	strace $0x90000047  }
0xf8: {  	[bflag:$0x2] =	sbarrier.arrive $0xFFFF  }
0xf9: {  	p0 =	sne.s32 s2, $0x0;
	s0 =	rddreg [dreg:$0x5]  }
0xfa: {  	s0 =	sadd.s32 @!p0 $0x100000, s0  }
0xfb: {  	[sflag:s0] =	ssyncadd.tile.s32 @!p0 $0x1;
	_ =	shalt  }
.Lfunc_end2:
_tile_overlayer_lowered:
.L_overlay_start_2:
0xfc: {  	(tag) =	ssettag $0x2  }
0xfd: {  	s0 =	rddreg [dreg:$0x0];
	s2 =	stileid.u32  }
0xfe: {  	s1 =	rddreg [dreg:$0x1];
	p0 =	sne.s32 s2, $0x0  }
0xff: {  	s3 =	rddreg [dreg:$0x2];
	[bflag:$0x3] =	sbarrier.arrive $0xFFFF;
	s2 =	simm.s32 @!p0 $0x1C08  }
0x100: {  	[timem:s3], [sflag:s2] =	dma.local @!p0 [hbm:s0], s1  }
0x101: {  	s0 =	simm.s32 @!p0 $0x8  }
0x102: {  	_ =	swait.ge @!p0 [sflag:s0], s1  }
0x103: {  	s1 =	ssub.s32 @!p0 $0x0, s1;
	[sflag:s0] =	ssyncset.done @!p0 $0x0  }
0x104: {  	[sflag:s0] =	ssyncadd.s32 @!p0 s1  }
0x105: {  	[bflag:$0x3] =	sbarrier.arrive $0xFFFF  }
0x106: {  	_ =	shalt  }

// kernel: kernel.9.cloned.1.call-start
scs
__scs_entry_jumppad:
0x0: {  	(pc) =	sbr.rel $0x88, $3  }
0x1: {  	(tag) =	ssettag $0x0;
	lr =	simm.s32 $0x1  }
0x2: {  	[smem:$0x3F99] =	sst lr;
	_ =	strace $0xD0000000  }
0x3: {  	_ = 	snop  }
0x4: {  	_ = 	snop  }
0x5: {  	_ = 	snop  }
0x6: {  	_ = 	snop  }
0x7: {  	_ = 	snop  }
__scs_overlays_trampoline_lowered:
0x8: {  	[smem:$0x3FA8] =	sst s0  }
0x9: {  	[smem:$0x3FA9] =	sst s1  }
0xa: {  	[smem:$0x3FAA] =	sst s2  }
0xb: {  	[smem:$0x3FAB] =	sst s3  }
0xc: {  	[smem:$0x3FAC] =	sst s4  }
0xd: {  	[smem:$0x3FAD] =	sst s5  }
0xe: {  	[smem:$0x3FAE] =	sst s6  }
0xf: {  	[smem:$0x3FAF] =	sst s7  }
0x10: {  	[smem:$0x3FB0] =	sst s8  }
0x11: {  	[smem:$0x3FB1] =	sst s9;
	s0 =	simm.s32 @!p0 $0x0  }
0x12: {  	s1 =	sld [smem:$0x3F97];
	s0 =	simm.s32 @p0 $0x1  }
0x13: {  	[smem:$0x3FB2] =	sst s0;
	s0 =	simm.s32 @!p1 $0x0  }
0x14: {  	s2 =	sld [smem:$0x3F96];
	s0 =	simm.s32 @p1 $0x1  }
0x15: {  	[smem:$0x3FB3] =	sst s0;
	s0 =	simm.s32 @!p2 $0x0  }
0x16: {  	s3 =	sld [smem:$0x3FDB];
	s0 =	simm.s32 @p2 $0x1  }
0x17: {  	s4 =	simm.s32 $0x1BF5;
	[smem:$0x3FB5] =	sst s0  }
0x18: {  	s0 =	sld [smem:$0x3F98];
	_ =	swait.ge [sflag:s4], $0x0  }
0x19: {  	s7 =	sld [smem:$0x3F99]  }
0x1a: {  	s8 =	sadd.s32 $0xFFFFE003, lr  }
0x1b: {  	s9 =	sadd.s32 $0xFFFFFEF7, lr;
	s5 =	simm.s32 $0xFFFFFFFF;
	p2 =	slt.u32 s8, $0xFFFFF086  }
0x1c: {  	p1 =	slt.u32 s9, $0xF7A;
	s5 =	simm.s32 @!p2 $0x0  }
0x1d: {  	s5 =	simm.s32 @p1 $0x1;
	p0 =	seq.s32 s7, s2  }
0x1e: {  	s7 =	smul.u32 @!p0 $0xF7A, s2;
	p2 =	seq.s32 @!p0 s5, $0x0  }
0x1f: {  	s9 =	smul.u32 $0xF7A, s1;
	s8 =	simm.s32 @!p0 $0x1BF5;
	p2 =	por !p2, p0  }
0x20: {  	[sflag:s8] =	ssyncset.s32 @!p0 $0xFFFFF086;
	s6 =	sadd.s32 @!p0 s3, s7;
	s7 =	simm.s32 @!p0 $0x108  }
0x21: {  	s3 =	sadd.s32 s3, s9;
	s6 =	sadd.s32 @!p0 $0x88, s6;
	s7 =	simm.s32 @p2 $0x1082  }
0x22: {  	[simem:s7], [sflag:s8] =	dma.local @!p0 [hbm:s6], $0xF7A  }
0x23: {  	s9 =	sor.u32 $0xD0000000, s2;
	s6 =	simm.s32 $0x108;
	_ =	swait.ge @!p0 [sflag:s8], $0x0  }
0x24: {  	s3 =	sadd.s32 $0x88, s3;
	s6 =	simm.s32 @!p1 $0x1082;
	[sflag:s4] =	ssyncset.s32 $0xFFFFF086  }
0x25: {  	[simem:s6], [sflag:s4] =	dma.local [hbm:s3], $0xF7A  }
0x26: {  	[smem:$0x3F99] =	sst s1;
	(tag) =	ssettag s2;
	_ =	strace s9  }
0x27: {  	s1 =	sld [smem:$0x3FA9]  }
0x28: {  	s2 =	sld [smem:$0x3FAA]  }
0x29: {  	s4 =	sld [smem:$0x3FAC]  }
0x2a: {  	p0 =	seq.s32 s5, $0x0;
	s5 =	sld [smem:$0x3FAD]  }
0x2b: {  	s6 =	sld [smem:$0x3FAE]  }
0x2c: {  	s7 =	sld [smem:$0x3FAF]  }
0x2d: {  	s3 =	simm.s32 $0x108;
	s8 =	sld [smem:$0x3FB0]  }
0x2e: {  	s3 =	simm.s32 @!p0 $0x1082;
	s9 =	sld [smem:$0x3FB1]  }
0x2f: {  	lr =	sadd.s32 s0, s3;
	s0 =	sld [smem:$0x3FA8]  }
0x30: {  	s3 =	sld [smem:$0x3FAB]  }
0x31: {  	[smem:$0x3FB4] =	sst s10  }
0x32: {  	s10 =	sld [smem:$0x3FB2];
	_ =	sdelay $0x3  }
0x33: {  	p0 =	seq.s32 s10, $0x1;
	s10 =	sld [smem:$0x3FB4];
	_ =	sdelay $0x3  }
0x34: {  	[smem:$0x3FB4] =	sst s10  }
0x35: {  	s10 =	sld [smem:$0x3FB3];
	_ =	sdelay $0x3  }
0x36: {  	p1 =	seq.s32 s10, $0x1;
	s10 =	sld [smem:$0x3FB4];
	_ =	sdelay $0x3  }
0x37: {  	[smem:$0x3FB4] =	sst s10  }
0x38: {  	s10 =	sld [smem:$0x3FB5]  }
0x39: {  	_ = 	snop;
	(pc) =	sbr.ind lr, $3  }
0x3a: {  	_ = 	snop  }
0x3b: {  	_ = 	snop  }
0x3c: {  	p2 =	seq.s32 s10, $0x1;
	s10 =	sld [smem:$0x3FB4]  }
0x3d: {  	_ =	shalt  }
0x3e: {  	_ =	shalt  }
0x3f: {  	_ =	shalt  }
0x40: {  	_ =	shalt  }
0x41: {  	_ =	shalt  }
0x42: {  	_ =	shalt  }
0x43: {  	_ =	shalt  }
0x44: {  	_ =	shalt  }
0x45: {  	_ =	shalt  }
0x46: {  	_ =	shalt  }
0x47: {  	_ =	shalt  }
0x48: {  	_ =	shalt  }
0x49: {  	_ =	shalt  }
0x4a: {  	_ =	shalt  }
0x4b: {  	_ =	shalt  }
0x4c: {  	_ =	shalt  }
0x4d: {  	_ =	shalt  }
0x4e: {  	_ =	shalt  }
0x4f: {  	_ =	shalt  }
0x50: {  	_ =	shalt  }
0x51: {  	_ =	shalt  }
0x52: {  	_ =	shalt  }
0x53: {  	_ =	shalt  }
0x54: {  	_ =	shalt  }
0x55: {  	_ =	shalt  }
0x56: {  	_ =	shalt  }
0x57: {  	_ =	shalt  }
0x58: {  	_ =	shalt  }
0x59: {  	_ =	shalt  }
0x5a: {  	_ =	shalt  }
0x5b: {  	_ =	shalt  }
0x5c: {  	_ =	shalt  }
0x5d: {  	_ =	shalt  }
0x5e: {  	_ =	shalt  }
0x5f: {  	_ =	shalt  }
0x60: {  	_ =	shalt  }
0x61: {  	_ =	shalt  }
0x62: {  	_ =	shalt  }
0x63: {  	_ =	shalt  }
0x64: {  	_ =	shalt  }
0x65: {  	_ =	shalt  }
0x66: {  	_ =	shalt  }
0x67: {  	_ =	shalt  }
0x68: {  	_ =	shalt  }
0x69: {  	_ =	shalt  }
0x6a: {  	_ =	shalt  }
0x6b: {  	_ =	shalt  }
0x6c: {  	_ =	shalt  }
0x6d: {  	_ =	shalt  }
0x6e: {  	_ =	shalt  }
0x6f: {  	_ =	shalt  }
0x70: {  	_ =	shalt  }
0x71: {  	_ =	shalt  }
0x72: {  	_ =	shalt  }
0x73: {  	_ =	shalt  }
0x74: {  	_ =	shalt  }
0x75: {  	_ =	shalt  }
0x76: {  	_ =	shalt  }
0x77: {  	_ =	shalt  }
0x78: {  	_ =	shalt  }
0x79: {  	_ =	shalt  }
0x7a: {  	_ =	shalt  }
0x7b: {  	_ =	shalt  }
0x7c: {  	_ =	shalt  }
0x7d: {  	_ =	shalt  }
0x7e: {  	_ =	shalt  }
0x7f: {  	_ =	shalt  }
0x80: {  	_ =	shalt  }
0x81: {  	_ =	shalt  }
0x82: {  	_ =	shalt  }
0x83: {  	_ =	shalt  }
0x84: {  	_ =	shalt  }
0x85: {  	_ =	shalt  }
0x86: {  	_ =	shalt  }
0x87: {  	_ =	shalt  }
.Lfunc_end0:
.L_simem_size_0:
called_computation.1_lowered:
.L_overlay_start_0:
0x88: {  	s2 =	sld [smem:$0x3FD9]  }
0x89: {  	s3 =	sld [smem:$0x3FFE];
	_ =	sdelay $0x1  }
0x8a: {  	s1 =	srdreg.scid  }
0x8b: {  	s0 =	sand.u32 $0x1, s1  }
0x8c: {  	s17 =	sshll.u32 s0, $0xA;
	s2 =	sadd.s32 s3, s2  }
0x8d: {  	s2 =	sadd.s32 s2, s17  }
0x8e: {  	[smem:$0x3FC0] =	sst s2  }
0x8f: {  	_ = 	snop  }
0x90: {  	s2 =	sld [smem:$0x3FD0];
	(tm) =	ssettm $0x1  }
0x91: {  	s18 =	sld [smem:$0x3FFB];
	_ =	sdelay $0x3  }
0x92: {  	_ =	strace s18  }
0x93: {  	s3 =	sld [smem:$0x3FFC];
	_ =	sdelay $0x3  }
0x94: {  	_ =	strace s3  }
0x95: {  	s3 =	sld [smem:$0x3FFD];
	_ =	sdelay $0x3  }
0x96: {  	_ =	strace s3  }
0x97: {  	_ =	strace $0x8FFFFFFF  }
0x98: {  	s19 =	sld [smem:$0x3FDB];
	_ =	sdelay $0x1  }
0x99: {  	s4 =	simm.s32 $_scs_section_size  }
0x9a: {  	s5 =	simm.s32 $_size__tile_overlayer_lowered;
	s6 =	simm.s32 $_tile_overlayer_lowered  }
0x9b: {  	s22 =	simm.s32 $0x1BFF;
	s21 =	sshll.u32 s6, $0x1;
	s3 =	sadd.s32 s4, s19  }
0x9c: {  	s7 =	simm.s32 $0x0;
	s20 =	sshll.u32 s5, $0x1;
	s5 =	sadd.s32 s21, s3  }
0x9d: {  	[timem:s7], [sflag:s22] =	dma.local [hbm:s5], s20  }
0x9e: {  	_ =	swait.ge [sflag:s22], s20  }
0x9f: {  	s4 =	ssub.s32 $0x0, s20;
	[sflag:s22] =	ssyncset.done $0x0  }
0xa0: {  	[sflag:s22] =	ssyncadd.s32 s4;
	_ =	sdelay $0x1  }
0xa1: {  	s23 =	simm.s32 $0x1B8B  }
0xa2: {  	_ =	swait.ge [sflag:s23], $0x1  }
0xa3: {  	[sflag:s23] =	ssyncset.done $0x0  }
0xa4: {  	s25 =	simm.s32 $0x1B8E;
	s24 =	sld [smem:$0x3FFE];
	[sflag:s23] =	ssyncadd.s32 $0xFFFFFFFF  }
0xa5: {  	s26 =	simm.s32 $execute0_lowered;
	[smem:$0x3FD2] =	sst s25  }
0xa6: {  	s5 =	sshll.u32 s26, $0x1;
	_ =	strace $0x80000049;
	[dreg:$0x1] =	wrdreg $0xFFFFFFFF  }
0xa7: {  	s28 =	simm.s32 $_size_execute0_lowered;
	s3 =	sadd.s32 s3, s5;
	[dreg:$0x0] =	wrdreg $0x0  }
0xa8: {  	s5 =	sshll.u32 s28, $0x1;
	[dreg:$0x2] =	wrdreg s3  }
0xa9: {  	[dreg:$0x3] =	wrdreg s5  }
0xaa: {  	[dreg:$0x4] =	wrdreg $0xC0  }
0xab: {  	_ =	task [dreg:s7], $0x5FFFF  }
0xac: {  	[dreg:$0x1] =	wrdreg $0xFFFFFFFF  }
0xad: {  	[dreg:$0x0] =	wrdreg $0x60  }
0xae: {  	[dreg:$0x2] =	wrdreg s24  }
0xaf: {  	[dreg:$0x3] =	wrdreg s2  }
0xb0: {  	[dreg:$0x4] =	wrdreg $0xB7800  }
0xb1: {  	[dreg:$0x5] =	wrdreg $0x9  }
0xb2: {  	_ =	task.clear_ibuf [dreg:s7], $0x6FFFF;
	_ =	strace $0x90000049  }
0xb3: {  	s29 =	simm.s32 $0x9;
	_ =	strace $0x8000004B  }
0xb4: {  	_ =	swait.ge [sflag:s29], $0x1  }
0xb5: {  	[sflag:s29] =	ssyncadd.s32 $0xFFFFFFFF  }
0xb6: {  	_ =	strace $0x9000004B  }
0xb7: {  	_ =	sfence  }
0xb8: {  	s30 =	sld [smem:$0x0];
	_ =	sdelay $0x2  }
0xb9: {  	s31 =	sshll.u32 s1, $0xD;
	s1 =	sshrl.u32 s1, $0x2  }
0xba: {  	s3 =	sand.u32 $0x4000, s31;
	s1 =	sadd.s32 s1, s30  }
0xbb: {  	s0 =	sor.u32 s3, s0;
	s1 =	sshll.u32 s1, $0x11  }
0xbc: {  	s0 =	sor.u32 s1, s0  }
0xbd: {  	s0 =	sadd.s32 $0x8F2B, s0  }
0xbe: {  	[sflag:s0] =	ssyncadd.remote.s32 $0x1  }
0xbf: {  	_ =	sfence.sel $0xFFFF  }
0xc0: {  	[dreg:$0x0] =	wrdreg $0xFFFFFFFF;
	(pc) =	sbr.abs _section_cstart, $3  }
0xc1: {  	[dreg:$0x1] =	wrdreg $0xFFFFFFFF  }
0xc2: {  	_ =	task.clear_ibuf [dreg:s7], $0x2FFFF;
	_ =	strace $0x9FFFFFFF  }
0xc3: {  	(tm) =	ssettm $0x7FFFFFFF  }
tec
execute0_lowered:
.L_overlay_start_1:
0x0: {  	(tag) =	ssettag $0x1  }
0x1: {  	s0 =	rddreg [dreg:$0x0]  }
0x2: {  	s6 =	rddreg [dreg:$0x1]  }
0x3: {  	s1 =	srdreg.scid;
	s2 =	rddreg [dreg:$0x2];
	s3 =	simm.s32 $0x0  }
0x4: {  	s19 =	simm.s32 $0x7;
	s20 =	simm.s32 $0x2780;
	s21 =	simm.s32 $0x28  }
0x5: {  	s29 =	simm.s32 $0x2;
	s30 =	simm.s32 $0x1;
	s8 =	sand.u32 $0x1, s1  }
0x6: {  	s1 =	stileid.u32;
	[smem:$0x7FF] =	sst s3;
	s31 =	sadd.s32 $0x68100, s0  }
0x7: {  	s14 =	sadd.s32 $0x8F300, s0;
	s4 =	sshll.u32 s8, $0x4;
	s9 =	smul.u32 $0x2700, s1  }
0x8: {  	_ =	strace $0x8000004A;
	s10 =	smul.u32 $0x4E000, s1;
	s22 =	ssub.s32 $0x2, s8  }
0x9: {  	p1 =	seq.s32 s8, $0x1;
	[dreg:$0x9] =	wrdreg s31;
	p0 =	seq.s32 s1, $0xF  }
0xa: {  	s5 =	sor.u32 s1, s4;
	s4 =	sadd.s32 $0x1C600, s0;
	s23 =	sshrl.u32 s22, $0x1  }
0xb: {  	p2 =	seq.s32 @p1 s1, $0xF;
	p4 =	seq.s32 @!p1 s1, $0xF;
	s7 =	smul.u32 $0x4E2, s5  }
0xc: {  	s5 =	sshll.u32 s5, $0xB;
	s13 =	sadd.s32 s9, s0;
	s10 =	sshrl.u32 s10, $0x2  }
0xd: {  	s15 =	ssub.s32 s22, s23;
	s24 =	sadd.s32 s6, s9;
	s6 =	sadd.s32 $0x24900, s6  }
0xe: {  	s22 =	simm.s32 $0x6780;
	p3 =	por !p2, !p1;
	p2 =	por p2, !p1  }
0xf: {  	s23 =	simm.s32 $0x5;
	s12 =	sadd.s32 s5, s0;
	[dreg:$0x4] =	wrdreg s24  }
0x10: {  	s5 =	sadd.s32 s10, s2;
	[dreg:$0x5] =	wrdreg s6;
	s28 =	sadd.s32 $0x43800, s13  }
0x11: {  	s13 =	sadd.s32 $0x6AA00, s13;
	s15 =	smax.u32 s15, $0x1;
	s24 =	simm.s32 $0x50  }
0x12: {  	s11 =	sadd.s32 s7, s0;
	s7 =	sadd.s32 $0x124800, s2;
	s26 =	sadd.s32 $0xBE00, s12  }
0x13: {  	[dreg:$0x8] =	wrdreg s28;
	s0 =	sshll.u32 @!p0 s1, $0x6;
	s18 =	sshrl.u32 @!p0 s5, $0x3  }
0x14: {  	s25 =	sadd.s32 $0x2000, s11;
	[dreg:$0x7] =	wrdreg s26;
	s16 =	sshrl.u32 @p0 s7, $0x3  }
0x15: {  	s17 =	sor.u32 @!p0 $0x1C07, s0;
	s0 =	simm.s32 @!p3 $0x0;
	[dreg:$0x6] =	wrdreg s25  }
0x16: {  	s0 =	simm.s32 @p3 $0x1;
	p3 =	por !p4, p1;
	p4 =	por p4, p1  }
0x17: {  	s25 =	simm.s32 $0x0;
	[smem:$0x7FD] =	sst s0;
	s0 =	simm.s32 $0x6  }
.LBB2_1:
0x18: {  	s6 =	simm.s32 @p0 $0x1FC7;
	s8 =	rddreg [dreg:$0x5]  }
0x19: {  	[spmem:s16], [sflag:s6] =	dma.local @p0 [hbm:s8], $0x2800  }
0x1a: {  	s6 =	simm.s32 @p0 $0x7  }
0x1b: {  	_ =	swait.ge @p0 [sflag:s6], $0x2800  }
0x1c: {  	[sflag:s6] =	ssyncset.done @p0 $0x0  }
0x1d: {  	[sflag:s6] =	ssyncadd.s32 @p0 $0xFFFFD800;
	s6 =	rddreg [dreg:$0x4]  }
0x1e: {  	[spmem:s18], [sflag:s17] =	dma.local @!p0 [hbm:s6], $0x2700  }
0x1f: {  	s6 =	simm.s32 @!p0 $0x7  }
0x20: {  	_ =	swait.ge @!p0 [sflag:s6], $0x2700  }
0x21: {  	[sflag:s6] =	ssyncset.done @!p0 $0x0  }
0x22: {  	s11 =	rddreg [dreg:$0x6];
	[sflag:s6] =	ssyncadd.s32 @!p0 $0xFFFFD900  }
0x23: {  	[tilespmem:s3], [sflag:$0x7] =	stream.linear.gather [hbm4b:s11+s3], $0x2710, $0x38;
	[tilespmem:$0x1F000] =	vst v63  }
0x24: {  	_ =	swait.ge [sflag:s19], $0x2710  }
0x25: {  	[sflag:s19] =	ssyncset.done $0x0  }
0x26: {  	s12 =	rddreg [dreg:$0x7];
	[sflag:s19] =	ssyncadd.s32 $0xFFFFD8F0  }
0x27: {  	[tilespmem:s20], [sflag:$0x7] =	stream.linear.gather [hbm4b:s12+s3], $0x3E80, $0x38;
	[tilespmem:$0x1F000] =	vst v63  }
0x28: {  	_ =	swait.ge [sflag:s19], $0x3E80  }
0x29: {  	[sflag:s19] =	ssyncset.done $0x0  }
0x2a: {  	[sflag:s19] =	ssyncadd.s32 $0xFFFFC180  }
0x2b: {  	[bflag:$0x0] =	sbarrier.arrive $0xFFFF  }
0x2c: {  	[tilespmem:s22], [sflag:$0x1] =	stream.indirect.gather [hbm4b:s4+s21], $0x80, s3, s21, $0xb8;
	[tilespmem:$0x1F000] =	vst v63  }
0x2d: {  	s26 =	simm.s32 $0x7B80  }
0x2e: {  	[tilespmem:s26], [sflag:$0x2] =	stream.indirect.gather [hbm4b:s4+s21], $0x80, s21, s21, $0xb8;
	[tilespmem:$0x1F000] =	vst v63  }
0x2f: {  	s8 =	simm.s32 $0x8F80  }
0x30: {  	[tilespmem:s8], [sflag:$0x3] =	stream.indirect.gather [hbm4b:s4+s21], $0x80, s24, s21, $0xb8;
	[tilespmem:$0x1F000] =	vst v63  }
0x31: {  	s9 =	simm.s32 $0x78;
	s10 =	simm.s32 $0xA380  }
0x32: {  	[tilespmem:s10], [sflag:$0x4] =	stream.indirect.gather [hbm4b:s4+s21], $0x80, s9, s21, $0xb8;
	[tilespmem:$0x1F000] =	vst v63  }
0x33: {  	_ =	swait.ge [sflag:s30], $0x1400  }
0x34: {  	[sflag:s30] =	ssyncset.done $0x0  }
0x35: {  	[sflag:s30] =	ssyncadd.s32 $0xFFFFEC00  }
0x36: {  	s11 =	sand.u32 $0x1, s30;
	_ =	swait.ge [sflag:s29], $0x1400  }
0x37: {  	p1 =	seq.s32 s11, $0x1;
	[sflag:s29] =	ssyncset.done $0x0  }
0x38: {  	s6 =	simm.s32 @p1 $0x5;
	[sflag:s29] =	ssyncadd.s32 $0xFFFFEC00  }
0x39: {  	[spmem:s2] =	stream.indirect.scatter.add.f32 [tilespmem:s22], [sflag:$0x5], $0x80, s20, s24, $0xb8;
	[tilespmem:$0x1F000] =	vst v63  }
0x3a: {  	_ =	swait.ge @p1 [sflag:s6], $0x2800  }
0x3b: {  	p5 =	por p1, p1;
	s8 =	simm.s32 $0xA0;
	[sflag:s6] =	ssyncset.done @p1 $0x0  }
0x3c: {  	s9 =	simm.s32 @p5 $0x6780;
	[sflag:s6] =	ssyncadd.s32 @p5 $0xFFFFD800;
	s6 =	simm.s32 @p5 $0x28  }
0x3d: {  	[tilespmem:s9], [sflag:$0x1] =	stream.indirect.gather @p5 [hbm4b:s4+s6], $0x80, s8, s6, $0xb8;
	[tilespmem:$0x1F000] =	vst v63  }
0x3e: {  	s11 =	simm.s32 @p5 $0x3;
	s10 =	simm.s32 @p5 $0x7B80;
	s9 =	simm.s32 $0xC8  }
0x3f: {  	[tilespmem:s10], [sflag:$0x2] =	stream.indirect.gather @p5 [hbm4b:s4+s6], $0x80, s9, s6, $0xb8;
	[tilespmem:$0x1F000] =	vst v63  }
0x40: {  	_ =	swait.ge @p5 [sflag:s11], $0x1400  }
0x41: {  	[sflag:s11] =	ssyncset.done @p5 $0x0  }
0x42: {  	s6 =	simm.s32 @p5 $0x4;
	[sflag:s11] =	ssyncadd.s32 @p5 $0xFFFFEC00  }
0x43: {  	_ =	swait.ge @p5 [sflag:s6], $0x1400  }
0x44: {  	s31 =	simm.s32 $0x2800;
	s10 =	simm.s32 @!p5 $0x6;
	[sflag:s6] =	ssyncset.done @p5 $0x0  }
0x45: {  	s11 =	simm.s32 @p5 $0x8F80;
	[sflag:s6] =	ssyncadd.s32 @p5 $0xFFFFEC00;
	s6 =	simm.s32 @p5 $0x50  }
0x46: {  	[spmem:s2] =	stream.indirect.scatter.add.f32 @p5 [tilespmem:s11], [sflag:$0x6], $0x80, s31, s6, $0xb8;
	[tilespmem:$0x1F000] =	vst v63  }
0x47: {  	_ =	swait.ge @!p5 [sflag:s10], $0x2800  }
0x48: {  	[sflag:s10] =	ssyncset.done @!p5 $0x0  }
0x49: {  	s6 =	simm.s32 @!p5 $0x28;
	[sflag:s10] =	ssyncadd.s32 @!p5 $0xFFFFD800;
	s10 =	simm.s32 @!p5 $0x8F80  }
0x4a: {  	[tilespmem:s10], [sflag:$0x3] =	stream.indirect.gather @!p5 [hbm4b:s4+s6], $0x80, s8, s6, $0xb8;
	[tilespmem:$0x1F000] =	vst v63  }
0x4b: {  	s8 =	simm.s32 @!p5 $0xA380;
	s10 =	simm.s32 @!p5 $0x1  }
0x4c: {  	[tilespmem:s8], [sflag:$0x4] =	stream.indirect.gather @!p5 [hbm4b:s4+s6], $0x80, s9, s6, $0xb8;
	[tilespmem:$0x1F000] =	vst v63  }
0x4d: {  	s28 =	simm.s32 $0xF0;
	_ =	swait.ge @!p5 [sflag:s10], $0x1400  }
0x4e: {  	s12 =	simm.s32 $0x2;
	s26 =	simm.s32 $0x2880;
	[sflag:s10] =	ssyncset.done @!p5 $0x0  }
0x4f: {  	s11 =	simm.s32 @!p5 $0x50;
	s9 =	simm.s32 @!p5 $0x2;
	[sflag:s10] =	ssyncadd.s32 @!p5 $0xFFFFEC00  }
0x50: {  	s6 =	simm.s32 $0x3;
	s8 =	sand.u32 $0x1, s12;
	_ =	swait.ge @!p5 [sflag:s9], $0x1400  }
0x51: {  	p1 =	seq.s32 s8, $0x1;
	s10 =	simm.s32 @!p5 $0x6780;
	[sflag:s9] =	ssyncset.done @!p5 $0x0  }
.LBB2_2:
0x52: {  	s12 =	simm.s32 @p1 $0x5  }
0x53: {  	[sflag:s9] =	ssyncadd.s32 @!p5 $0xFFFFEC00;
	s8 =	smov.u32 s6;
	s6 =	sadd.s32 $0x1, s6  }
0x54: {  	[spmem:s2] =	stream.indirect.scatter.add.f32 @!p5 [tilespmem:s10], [sflag:$0x5], $0x80, s31, s11, $0xb8;
	[tilespmem:$0x1F000] =	vst v63  }
0x55: {  	p6 =	sne.s32 s6, $0x7C;
	s31 =	smov.u32 s26;
	_ =	swait.ge @p1 [sflag:s12], $0x2800  }
0x56: {  	p5 =	por p1, p1;
	[sflag:s12] =	ssyncset.done @p1 $0x0  }
0x57: {  	s9 =	simm.s32 @p5 $0x28;
	s10 =	simm.s32 @p5 $0x6780;
	[sflag:s12] =	ssyncadd.s32 @p5 $0xFFFFD800  }
0x58: {  	[tilespmem:s10], [sflag:$0x1] =	stream.indirect.gather @p5 [hbm4b:s4+s9], $0x80, s28, s9, $0xb8;
	[tilespmem:$0x1F000] =	vst v63  }
0x59: {  	s11 =	simm.s32 @p5 $0x7B80;
	s12 =	simm.s32 @p5 $0x3;
	s10 =	sadd.s32 $0x28, s28  }
0x5a: {  	[tilespmem:s11], [sflag:$0x2] =	stream.indirect.gather @p5 [hbm4b:s4+s9], $0x80, s10, s9, $0xb8;
	[tilespmem:$0x1F000] =	vst v63  }
0x5b: {  	_ =	swait.ge @p5 [sflag:s12], $0x1400  }
0x5c: {  	[sflag:s12] =	ssyncset.done @p5 $0x0  }
0x5d: {  	s9 =	simm.s32 @p5 $0x4;
	[sflag:s12] =	ssyncadd.s32 @p5 $0xFFFFEC00  }
0x5e: {  	_ =	swait.ge @p5 [sflag:s9], $0x1400  }
0x5f: {  	s11 =	simm.s32 @!p5 $0x6;
	[sflag:s9] =	ssyncset.done @p5 $0x0  }
0x60: {  	s12 =	simm.s32 @p5 $0x8F80;
	[sflag:s9] =	ssyncadd.s32 @p5 $0xFFFFEC00;
	s9 =	simm.s32 @p5 $0x50  }
0x61: {  	[spmem:s2] =	stream.indirect.scatter.add.f32 @p5 [tilespmem:s12], [sflag:$0x6], $0x80, s26, s9, $0xb8;
	[tilespmem:$0x1F000] =	vst v63  }
0x62: {  	_ =	swait.ge @!p5 [sflag:s11], $0x2800  }
0x63: {  	[sflag:s11] =	ssyncset.done @!p5 $0x0  }
0x64: {  	s9 =	simm.s32 @!p5 $0x28;
	[sflag:s11] =	ssyncadd.s32 @!p5 $0xFFFFD800;
	s11 =	simm.s32 @!p5 $0x8F80  }
0x65: {  	[tilespmem:s11], [sflag:$0x3] =	stream.indirect.gather @!p5 [hbm4b:s4+s9], $0x80, s28, s9, $0xb8;
	[tilespmem:$0x1F000] =	vst v63  }
0x66: {  	s12 =	simm.s32 @!p5 $0x1;
	s11 =	simm.s32 @!p5 $0xA380  }
0x67: {  	[tilespmem:s11], [sflag:$0x4] =	stream.indirect.gather @!p5 [hbm4b:s4+s9], $0x80, s10, s9, $0xb8;
	[tilespmem:$0x1F000] =	vst v63  }
.Ltmp0:
0x68: {  	_ =	swait.ge @!p5 [sflag:s12], $0x1400;
	(pc) =	sbr.rel @p6 .LBB2_2-.Ltmp0, $4  }
0x69: {  	s28 =	sadd.s32 $0x50, s28;
	[sflag:s12] =	ssyncset.done @!p5 $0x0  }
0x6a: {  	s26 =	sadd.s32 $0x80, s26;
	s9 =	simm.s32 @!p5 $0x2;
	[sflag:s12] =	ssyncadd.s32 @!p5 $0xFFFFEC00  }
0x6b: {  	s8 =	sand.u32 $0x1, s8;
	s10 =	simm.s32 @!p5 $0x6780;
	_ =	swait.ge @!p5 [sflag:s9], $0x1400  }
0x6c: {  	p1 =	seq.s32 s8, $0x1;
	s11 =	simm.s32 @!p5 $0x50;
	[sflag:s9] =	ssyncset.done @!p5 $0x0  }
0x6d: {  	s6 =	simm.s32 @p1 $0x5;
	[sflag:s9] =	ssyncadd.s32 @!p5 $0xFFFFEC00  }
0x6e: {  	[spmem:s2] =	stream.indirect.scatter.add.f32 @!p5 [tilespmem:s10], [sflag:$0x5], $0x80, s31, s11, $0xb8;
	[tilespmem:$0x1F000] =	vst v63  }
0x6f: {  	_ =	swait.ge @p1 [sflag:s6], $0x2800  }
0x70: {  	p5 =	por p1, p1;
	[sflag:s6] =	ssyncset.done @p1 $0x0  }
0x71: {  	s8 =	simm.s32 @p5 $0x6780;
	[sflag:s6] =	ssyncadd.s32 @p5 $0xFFFFD800;
	s6 =	simm.s32 @p5 $0x28  }
0x72: {  	[tilespmem:s8], [sflag:$0x1] =	stream.indirect.gather @p5 [hbm4b:s4+s6], $0x80, s28, s6, $0xb8;
	[tilespmem:$0x1F000] =	vst v63  }
0x73: {  	s9 =	simm.s32 @p5 $0x7B80;
	s10 =	simm.s32 @p5 $0x3;
	s8 =	sadd.s32 $0x28, s28  }
0x74: {  	[tilespmem:s9], [sflag:$0x2] =	stream.indirect.gather @p5 [hbm4b:s4+s6], $0x80, s8, s6, $0xb8;
	[tilespmem:$0x1F000] =	vst v63  }
0x75: {  	_ =	swait.ge @p5 [sflag:s10], $0x1400  }
0x76: {  	[sflag:s10] =	ssyncset.done @p5 $0x0  }
0x77: {  	s6 =	simm.s32 @p5 $0x4;
	[sflag:s10] =	ssyncadd.s32 @p5 $0xFFFFEC00  }
0x78: {  	_ =	swait.ge @p5 [sflag:s6], $0x1400  }
0x79: {  	s9 =	simm.s32 @!p5 $0x6;
	[sflag:s6] =	ssyncset.done @p5 $0x0  }
0x7a: {  	s10 =	simm.s32 @p5 $0x8F80;
	[sflag:s6] =	ssyncadd.s32 @p5 $0xFFFFEC00;
	s6 =	simm.s32 @p5 $0x50  }
0x7b: {  	[spmem:s2] =	stream.indirect.scatter.add.f32 @p5 [tilespmem:s10], [sflag:$0x6], $0x80, s26, s6, $0xb8;
	[tilespmem:$0x1F000] =	vst v63  }
0x7c: {  	_ =	swait.ge @!p5 [sflag:s9], $0x2800  }
0x7d: {  	[sflag:s9] =	ssyncset.done @!p5 $0x0  }
0x7e: {  	s6 =	simm.s32 @!p5 $0x28;
	[sflag:s9] =	ssyncadd.s32 @!p5 $0xFFFFD800;
	s9 =	simm.s32 @!p5 $0x8F80  }
0x7f: {  	[tilespmem:s9], [sflag:$0x3] =	stream.indirect.gather @!p5 [hbm4b:s4+s6], $0x80, s28, s6, $0xb8;
	[tilespmem:$0x1F000] =	vst v63  }
0x80: {  	s10 =	simm.s32 @!p5 $0x1;
	s9 =	simm.s32 @!p5 $0xA380  }
0x81: {  	[tilespmem:s9], [sflag:$0x4] =	stream.indirect.gather @!p5 [hbm4b:s4+s6], $0x80, s8, s6, $0xb8;
	[tilespmem:$0x1F000] =	vst v63  }
0x82: {  	_ =	swait.ge @!p5 [sflag:s10], $0x1400  }
0x83: {  	[sflag:s10] =	ssyncset.done @!p5 $0x0  }
0x84: {  	s6 =	simm.s32 @!p5 $0x2;
	[sflag:s10] =	ssyncadd.s32 @!p5 $0xFFFFEC00  }
0x85: {  	_ =	swait.ge @!p5 [sflag:s6], $0x1400  }
0x86: {  	[sflag:s6] =	ssyncset.done @!p5 $0x0  }
0x87: {  	s8 =	simm.s32 @!p5 $0x6780;
	s9 =	simm.s32 @!p5 $0x50;
	[sflag:s6] =	ssyncadd.s32 @!p5 $0xFFFFEC00  }
0x88: {  	[spmem:s2] =	stream.indirect.scatter.add.f32 @!p5 [tilespmem:s8], [sflag:$0x5], $0x80, s26, s9, $0xb8;
	[tilespmem:$0x1F000] =	vst v63  }
0x89: {  	_ =	swait.ge [sflag:s30], $0x1400  }
0x8a: {  	[sflag:s30] =	ssyncset.done $0x0  }
0x8b: {  	[sflag:s30] =	ssyncadd.s32 $0xFFFFEC00  }
0x8c: {  	_ =	swait.ge [sflag:s29], $0x1400  }
0x8d: {  	[sflag:s29] =	ssyncset.done $0x0  }
0x8e: {  	s28 =	simm.s32 $0x6580;
	[sflag:s29] =	ssyncadd.s32 $0xFFFFEC00  }
0x8f: {  	[spmem:s2] =	stream.indirect.scatter.add.f32 [tilespmem:s22], [sflag:$0x5], $0x80, s28, s24, $0xb8;
	[tilespmem:$0x1F000] =	vst v63  }
0x90: {  	_ =	swait.ge [sflag:s0], $0x2800  }
0x91: {  	[sflag:s0] =	ssyncset.done $0x0  }
0x92: {  	[sflag:s0] =	ssyncadd.s32 $0xFFFFD800  }
0x93: {  	_ =	swait.ge [sflag:s23], $0x2800  }
0x94: {  	[sflag:s23] =	ssyncset.done $0x0  }
0x95: {  	[sflag:s23] =	ssyncadd.s32 $0xFFFFD800  }
0x96: {  	[bflag:$0x0] =	sbarrier.arrive $0xFFFF  }
0x97: {  	s31 =	sld [smem:$0x7FD];
	_ =	sdelay $0x2  }
0x98: {  	p1 =	seq.s32 s31, $0x1  }
0x99: {  	s6 =	sshrl.u32 @!p1 s7, $0x3;
	s8 =	simm.s32 @!p1 $0x1FC7  }
0x9a: {  	[hbm:s14], [sflag:s8] =	dma.local @!p1 [spmem:s6], $0x2800  }
0x9b: {  	s6 =	simm.s32 @!p1 $0x7  }
0x9c: {  	_ =	swait.ge @!p1 [sflag:s6], $0x2800  }
0x9d: {  	s8 =	sshll.u32 @!p2 s1, $0x6;
	[sflag:s6] =	ssyncset.done @!p1 $0x0  }
0x9e: {  	[sflag:s6] =	ssyncadd.s32 @!p1 $0xFFFFD800;
	s6 =	sor.u32 @!p2 $0x1C07, s8;
	s8 =	sshrl.u32 @!p2 s5, $0x3  }
0x9f: {  	[hbm:s13], [sflag:s6] =	dma.local @!p2 [spmem:s8], $0x2700  }
0xa0: {  	s6 =	simm.s32 @!p2 $0x7  }
0xa1: {  	_ =	swait.ge @!p2 [sflag:s6], $0x2700  }
0xa2: {  	s8 =	simm.s32 @!p3 $0x1FC7;
	[sflag:s6] =	ssyncset.done @!p2 $0x0  }
0xa3: {  	s9 =	rddreg [dreg:$0x9];
	[sflag:s6] =	ssyncadd.s32 @!p2 $0xFFFFD900;
	s6 =	sshrl.u32 @!p3 s7, $0x3  }
0xa4: {  	[hbm:s9], [sflag:s8] =	dma.local @!p3 [spmem:s6], $0x2800  }
0xa5: {  	s25 =	sadd.s32 $0x1, s25;
	s6 =	simm.s32 @!p3 $0x7  }
0xa6: {  	p1 =	sne.s32 s25, s15;
	_ =	swait.ge @!p3 [sflag:s6], $0x2800  }
0xa7: {  	s8 =	sshll.u32 @!p4 s1, $0x6;
	[sflag:s6] =	ssyncset.done @!p3 $0x0;
	s9 =	rddreg [dreg:$0x8]  }
0xa8: {  	[sflag:s6] =	ssyncadd.s32 @!p3 $0xFFFFD800;
	s6 =	sor.u32 @!p4 $0x1C07, s8;
	s8 =	sshrl.u32 @!p4 s5, $0x3  }
0xa9: {  	[hbm:s9], [sflag:s6] =	dma.local @!p4 [spmem:s8], $0x2700  }
.Ltmp1:
0xaa: {  	_ = 	snop;
	(pc) =	sbr.rel @p1 .LBB2_1-.Ltmp1, $4  }
0xab: {  	s6 =	simm.s32 @!p4 $0x7  }
0xac: {  	_ =	swait.ge @!p4 [sflag:s6], $0x2700  }
0xad: {  	[sflag:s6] =	ssyncset.done @!p4 $0x0  }
0xae: {  	[sflag:s6] =	ssyncadd.s32 @!p4 $0xFFFFD900  }
0xaf: {  	_ =	sfence.sel $0x180000  }
0xb0: {  	[bflag:$0x0] =	sbarrier.arrive $0xFFFF  }
0xb1: {  	_ =	strace $0x9000004A  }
0xb2: {  	[bflag:$0x2] =	sbarrier.arrive $0xFFFF  }
0xb3: {  	p0 =	sne.s32 s1, $0x0;
	s0 =	rddreg [dreg:$0x3]  }
0xb4: {  	s0 =	sadd.s32 @!p0 $0x100000, s0  }
0xb5: {  	[sflag:s0] =	ssyncadd.tile.s32 @!p0 $0x1;
	_ =	shalt  }
.Lfunc_end2:
_tile_overlayer_lowered:
.L_overlay_start_2:
0xb6: {  	(tag) =	ssettag $0x2  }
0xb7: {  	s0 =	rddreg [dreg:$0x0];
	s2 =	stileid.u32  }
0xb8: {  	s1 =	rddreg [dreg:$0x1];
	p0 =	sne.s32 s2, $0x0  }
0xb9: {  	s3 =	rddreg [dreg:$0x2];
	[bflag:$0x3] =	sbarrier.arrive $0xFFFF;
	s2 =	simm.s32 @!p0 $0x1C07  }
0xba: {  	[timem:s3], [sflag:s2] =	dma.local @!p0 [hbm:s0], s1  }
0xbb: {  	s0 =	simm.s32 @!p0 $0x7  }
0xbc: {  	_ =	swait.ge @!p0 [sflag:s0], s1  }
0xbd: {  	s1 =	ssub.s32 @!p0 $0x0, s1;
	[sflag:s0] =	ssyncset.done @!p0 $0x0  }
0xbe: {  	[sflag:s0] =	ssyncadd.s32 @!p0 s1  }
0xbf: {  	[bflag:$0x3] =	sbarrier.arrive $0xFFFF  }
0xc0: {  	_ =	shalt  }

</sc_bundles>
